<compile_context>
chip_gen: v7x
topology: tpu7x:2x2x1
jax: 0.10.2.dev20260603
libtpu: 0.0.44.dev20260713+nightly
codegen_flags: <defaults>
</compile_context>

<pallas_src>
import functools

import jax
import jax.numpy as jnp
from jax import lax
from jax.experimental import pallas as pl
from jax.experimental.pallas import tpu as pltpu
from jax.experimental.pallas import tpu_sc as plsc

B = 4096
T = 200
D = 64

NC = 2
NS = 16
NW = NC * NS
BPW = B // NW

IDX_SPLITS = ((0, 104), (104, 96))


def _sc_body(rid_hbm, table_hbm, post_hbm, out_hbm, idx_v, rows_v, post_v,
             gsems, osems):
    wid = lax.axis_index("s") * NC + lax.axis_index("c")
    base = wid * BPW

    pltpu.sync_copy(rid_hbm.at[pl.ds(base, BPW)], idx_v)

    def start_gather(i, p):
        for off, n in IDX_SPLITS:
            pltpu.async_copy(
                table_hbm.at[idx_v.at[i].at[pl.ds(off, n)]],
                rows_v.at[p].at[pl.ds(off, n)],
                gsems.at[p])

    def wait_gather(i, p):
        for off, n in IDX_SPLITS:
            pltpu.make_async_copy(
                table_hbm.at[idx_v.at[i].at[pl.ds(off, n)]],
                rows_v.at[p].at[pl.ds(off, n)],
                gsems.at[p]).wait()

    def wait_store(b, p):
        pltpu.make_async_copy(rows_v.at[p], out_hbm.at[b], osems.at[p]).wait()

    start_gather(0, 0)
    start_gather(1, 1)
    pltpu.sync_copy(post_hbm, post_v)

    def pair_body(j, carry):
        for p in range(2):
            i = 2 * j + p
            wait_gather(i, p)

            @pl.when(j > 0)
            def _():
                wait_store(base + i - 2, p)

            def t_body(t8, tcarry):
                tb = t8 * 8
                for dt in range(8):
                    t = tb + dt
                    for d0 in range(0, D, 16):
                        plsc.addupdate(rows_v.at[p].at[t].at[pl.ds(d0, 16)],
                                       post_v[t, pl.ds(d0, 16)])
                return tcarry

            lax.fori_loop(0, T // 8, t_body, 0)

            @pl.when(j < BPW // 2 - 1)
            def _():
                start_gather(i + 2, p)

            pltpu.async_copy(rows_v.at[p], out_hbm.at[base + i], osems.at[p])
        return carry

    lax.fori_loop(0, BPW // 2, pair_body, 0)
    wait_store(base + BPW - 2, 0)
    wait_store(base + BPW - 1, 1)


def kernel(rid, table, pos):
    rid32 = rid.astype(jnp.int32)
    pos_t = jnp.transpose(pos.reshape(D, T))
    mesh = plsc.VectorSubcoreMesh(core_axis_name="c", subcore_axis_name="s",
                                  num_cores=NC, num_subcores=NS)
    k = functools.partial(
        pl.kernel,
        out_type=jax.ShapeDtypeStruct((B, T, D), jnp.float32),
        mesh=mesh,
        compiler_params=pltpu.CompilerParams(needs_layout_passes=False,
                                             use_tc_tiling_on_sc=False),
        scratch_types=[
            pltpu.VMEM((BPW, T), jnp.int32),
            pltpu.VMEM((2, T, D), jnp.float32),
            pltpu.VMEM((T, D), jnp.float32),
            pltpu.SemaphoreType.DMA((2,)),
            pltpu.SemaphoreType.DMA((2,)),
        ],
    )(_sc_body)
    return jnp.transpose(k(rid32, table, pos_t), (0, 2, 1))

# --- scband reference (transcript-rebuilt; emitter-appended) ---
"""Pipeline reference for scband-road-topology-encoder-11278584119534 (READ-ONLY COPY).

The authoritative reference and input builder live on the scoring server;
editing this copy changes nothing except your own understanding.
"""

import jax, jax.numpy as jnp
import numpy as np

N_SEG = 1000000
D = 64
T = 200
B = 4096

def setup_inputs(seed: int = 0) -> dict:
    key = jax.random.key(seed)
    k1, k2, k3 = jax.random.split(key, 3)
    rid = jax.random.randint(k1, (B, T), 0, N_SEG, dtype=jnp.int64) if jax.config.jax_enable_x64 else jax.random.randint(k1, (B, T), 0, N_SEG, dtype=jnp.int32)
    table = jax.random.normal(k2, (N_SEG, D), dtype=jnp.float32)
    pos = jax.random.normal(k3, (1, D, T), dtype=jnp.float32)
    return {"rid": rid, "table": table, "pos": pos}

def reference(rid, table, pos):
    # embedding lookup: [B, T, d]
    x = jnp.take(table, rid, axis=0)
    # transpose(1, 2): [B, d, T]
    x = jnp.transpose(x, (0, 2, 1))
    # add learned positional parameter [1, d, T]
    return x + pos

if __name__ == "__main__":
    import jax
    _d = setup_inputs()
    print(jax.jit(kernel)(*tuple(_d.values())))

</pallas_src>

<mosaic_0001>
#map = affine_map<(d0, d1) -> (0, 0)>
#map1 = affine_map<(d0, d1) -> (0, 0, 0)>
module attributes {stable_mosaic.version = 14 : i64} {
  func.func @_sc_body(%arg0: i32, %arg1: i32, %arg2: memref<4096x200xi32, #tpu.memory_space<hbm>>, %arg3: memref<1000000x64xf32, #tpu.memory_space<hbm>>, %arg4: memref<200x64xf32, #tpu.memory_space<hbm>>, %arg5: memref<4096x200x64xf32, #tpu.memory_space<hbm>>, %arg6: memref<128x200xi32, #tpu.memory_space<vmem>>, %arg7: memref<2x200x64xf32, #tpu.memory_space<vmem>>, %arg8: memref<200x64xf32, #tpu.memory_space<vmem>>, %arg9: memref<2x!tpu.dma_semaphore, #tpu.memory_space<semaphore_mem>>, %arg10: memref<2x!tpu.dma_semaphore, #tpu.memory_space<semaphore_mem>>) attributes {dimension_semantics = [#tpu.dimension_semantics<core_parallel>, #tpu.dimension_semantics<subcore_parallel>], iteration_bounds = array<i64: 2, 16>, scalar_prefetch = 0 : i64, scratch_operands = 5 : i64, tpu.core_type = #tpu.core_type<sc_vector_subcore>, window_params = [{transform_indices = #map}, {transform_indices = #map}, {transform_indices = #map}, {transform_indices = #map1}]} {
    %mul3A = arith.constant 2 : i32
    %mul3A_0 = arith.muli %arg1, %mul3A : i32
    %add3A = arith.addi %mul3A_0, %arg0 : i32
    %mul3A_1 = arith.constant 128 : i32
    %mul3A_2 = arith.muli %add3A, %mul3A_1 : i32
    "tpu.region"() ({
      %run_scoped3A = tpu.sem_alloc : memref<!tpu.dma_semaphore, #tpu.memory_space<semaphore_mem>>
      %dma_start3A_133 = arith.constant 0 : i32
      %dma_start3A_134 = tpu.memref_slice %arg2[%mul3A_2, %dma_start3A_133] : memref<4096x200xi32, #tpu.memory_space<hbm>> -> memref<128x200xi32, #tpu.memory_space<hbm>>
      %dma_start3A_135 = arith.constant 0 : i32
      %dma_start3A_136 = tpu.memref_slice %arg2[%mul3A_2, %dma_start3A_135] : memref<4096x200xi32, #tpu.memory_space<hbm>> -> memref<128x200xi32, #tpu.memory_space<hbm>>
      tpu.enqueue_dma source(%dma_start3A_136 : memref<128x200xi32, #tpu.memory_space<hbm>>) target(%arg6 : memref<128x200xi32, #tpu.memory_space<vmem>>) target_semaphore(%run_scoped3A : memref<!tpu.dma_semaphore, #tpu.memory_space<semaphore_mem>>)
      %dma_wait3A_137 = arith.constant 0 : i32
      %dma_wait3A_138 = tpu.memref_slice %arg2[%mul3A_2, %dma_wait3A_137] : memref<4096x200xi32, #tpu.memory_space<hbm>> -> memref<128x200xi32, #tpu.memory_space<hbm>>
      %dma_wait3A_139 = arith.constant 0 : i32
      %dma_wait3A_140 = tpu.memref_slice %arg2[%mul3A_2, %dma_wait3A_139] : memref<4096x200xi32, #tpu.memory_space<hbm>> -> memref<128x200xi32, #tpu.memory_space<hbm>>
      tpu.wait_dma2 semaphore(%run_scoped3A : memref<!tpu.dma_semaphore, #tpu.memory_space<semaphore_mem>>) src(%dma_wait3A_140 : memref<128x200xi32, #tpu.memory_space<hbm>>) dst(%arg6 : memref<128x200xi32, #tpu.memory_space<vmem>>)
      tpu.yield
    }) : () -> ()
    %dma_start3A = arith.constant 0 : i32
    %dma_start3A_3 = arith.constant 0 : i32
    %dma_start3A_4 = arith.constant 0 : i32
    %dma_start3A_5 = arith.constant 0 : i32
    %dma_start3A_6 = arith.constant 0 : i32
    %dma_start3A_7 = tpu.memref_slice %arg7[%dma_start3A_3, %dma_start3A_5, %dma_start3A_6] : memref<2x200x64xf32, #tpu.memory_space<vmem>> -> memref<1x200x64xf32, #tpu.memory_space<vmem>>
    %dma_start3A_8 = tpu.memref_squeeze %dma_start3A_7 : memref<1x200x64xf32, #tpu.memory_space<vmem>> -> memref<200x64xf32, #tpu.memory_space<vmem>>
    %dma_start3A_9 = arith.constant 0 : i32
    %dma_start3A_10 = arith.constant 0 : i32
    %dma_start3A_11 = tpu.memref_slice %dma_start3A_8[%dma_start3A_9, %dma_start3A_10] : memref<200x64xf32, #tpu.memory_space<vmem>> -> memref<104x64xf32, #tpu.memory_space<vmem>>
    %dma_start3A_12 = arith.constant 0 : i32
    %dma_start3A_13 = tpu.memref_slice %arg6[%dma_start3A, %dma_start3A_12] : memref<128x200xi32, #tpu.memory_space<vmem>> -> memref<1x200xi32, #tpu.memory_space<vmem>>
    %dma_start3A_14 = tpu.memref_squeeze %dma_start3A_13 : memref<1x200xi32, #tpu.memory_space<vmem>> -> memref<200xi32, #tpu.memory_space<vmem>>
    %dma_start3A_15 = arith.constant 0 : i32
    %dma_start3A_16 = tpu.memref_slice %dma_start3A_14[%dma_start3A_15] : memref<200xi32, #tpu.memory_space<vmem>> -> memref<104xi32, #tpu.memory_space<vmem>>
    %dma_start3A_17 = arith.constant 0 : i32
    %dma_start3A_18 = arith.constant 0 : i32
    %dma_start3A_19 = tpu.memref_slice %arg3[%dma_start3A_17, %dma_start3A_18] : memref<1000000x64xf32, #tpu.memory_space<hbm>> -> memref<1000000x64xf32, #tpu.memory_space<hbm>>
    %dma_start3A_20 = tpu.memref_slice %arg9[%dma_start3A_4] : memref<2x!tpu.dma_semaphore, #tpu.memory_space<semaphore_mem>> -> memref<1x!tpu.dma_semaphore, #tpu.memory_space<semaphore_mem>>
    %dma_start3A_21 = tpu.memref_squeeze %dma_start3A_20 : memref<1x!tpu.dma_semaphore, #tpu.memory_space<semaphore_mem>> -> memref<!tpu.dma_semaphore, #tpu.memory_space<semaphore_mem>>
    tpu.enqueue_indirect_dma source(%dma_start3A_19 : memref<1000000x64xf32, #tpu.memory_space<hbm>>) target(%dma_start3A_11 : memref<104x64xf32, #tpu.memory_space<vmem>>) offsets(%dma_start3A_16 : memref<104xi32, #tpu.memory_space<vmem>>) semaphore(%dma_start3A_21 : memref<!tpu.dma_semaphore, #tpu.memory_space<semaphore_mem>>)
    %dma_start3A_22 = arith.constant 0 : i32
    %dma_start3A_23 = arith.constant 0 : i32
    %dma_start3A_24 = arith.constant 0 : i32
    %dma_start3A_25 = arith.constant 0 : i32
    %dma_start3A_26 = arith.constant 0 : i32
    %dma_start3A_27 = tpu.memref_slice %arg7[%dma_start3A_23, %dma_start3A_25, %dma_start3A_26] : memref<2x200x64xf32, #tpu.memory_space<vmem>> -> memref<1x200x64xf32, #tpu.memory_space<vmem>>
    %dma_start3A_28 = tpu.memref_squeeze %dma_start3A_27 : memref<1x200x64xf32, #tpu.memory_space<vmem>> -> memref<200x64xf32, #tpu.memory_space<vmem>>
    %dma_start3A_29 = arith.constant 104 : i32
    %dma_start3A_30 = arith.constant 0 : i32
    %dma_start3A_31 = tpu.memref_slice %dma_start3A_28[%dma_start3A_29, %dma_start3A_30] : memref<200x64xf32, #tpu.memory_space<vmem>> -> memref<96x64xf32, #tpu.memory_space<vmem>>
    %dma_start3A_32 = arith.constant 0 : i32
    %dma_start3A_33 = tpu.memref_slice %arg6[%dma_start3A_22, %dma_start3A_32] : memref<128x200xi32, #tpu.memory_space<vmem>> -> memref<1x200xi32, #tpu.memory_space<vmem>>
    %dma_start3A_34 = tpu.memref_squeeze %dma_start3A_33 : memref<1x200xi32, #tpu.memory_space<vmem>> -> memref<200xi32, #tpu.memory_space<vmem>>
    %dma_start3A_35 = arith.constant 104 : i32
    %dma_start3A_36 = tpu.memref_slice %dma_start3A_34[%dma_start3A_35] : memref<200xi32, #tpu.memory_space<vmem>> -> memref<96xi32, #tpu.memory_space<vmem>>
    %dma_start3A_37 = arith.constant 0 : i32
    %dma_start3A_38 = arith.constant 0 : i32
    %dma_start3A_39 = tpu.memref_slice %arg3[%dma_start3A_37, %dma_start3A_38] : memref<1000000x64xf32, #tpu.memory_space<hbm>> -> memref<1000000x64xf32, #tpu.memory_space<hbm>>
    %dma_start3A_40 = tpu.memref_slice %arg9[%dma_start3A_24] : memref<2x!tpu.dma_semaphore, #tpu.memory_space<semaphore_mem>> -> memref<1x!tpu.dma_semaphore, #tpu.memory_space<semaphore_mem>>
    %dma_start3A_41 = tpu.memref_squeeze %dma_start3A_40 : memref<1x!tpu.dma_semaphore, #tpu.memory_space<semaphore_mem>> -> memref<!tpu.dma_semaphore, #tpu.memory_space<semaphore_mem>>
    tpu.enqueue_indirect_dma source(%dma_start3A_39 : memref<1000000x64xf32, #tpu.memory_space<hbm>>) target(%dma_start3A_31 : memref<96x64xf32, #tpu.memory_space<vmem>>) offsets(%dma_start3A_36 : memref<96xi32, #tpu.memory_space<vmem>>) semaphore(%dma_start3A_41 : memref<!tpu.dma_semaphore, #tpu.memory_space<semaphore_mem>>)
    %dma_start3A_42 = arith.constant 1 : i32
    %dma_start3A_43 = arith.constant 1 : i32
    %dma_start3A_44 = arith.constant 1 : i32
    %dma_start3A_45 = arith.constant 0 : i32
    %dma_start3A_46 = arith.constant 0 : i32
    %dma_start3A_47 = tpu.memref_slice %arg7[%dma_start3A_43, %dma_start3A_45, %dma_start3A_46] : memref<2x200x64xf32, #tpu.memory_space<vmem>> -> memref<1x200x64xf32, #tpu.memory_space<vmem>>
    %dma_start3A_48 = tpu.memref_squeeze %dma_start3A_47 : memref<1x200x64xf32, #tpu.memory_space<vmem>> -> memref<200x64xf32, #tpu.memory_space<vmem>>
    %dma_start3A_49 = arith.constant 0 : i32
    %dma_start3A_50 = arith.constant 0 : i32
    %dma_start3A_51 = tpu.memref_slice %dma_start3A_48[%dma_start3A_49, %dma_start3A_50] : memref<200x64xf32, #tpu.memory_space<vmem>> -> memref<104x64xf32, #tpu.memory_space<vmem>>
    %dma_start3A_52 = arith.constant 0 : i32
    %dma_start3A_53 = tpu.memref_slice %arg6[%dma_start3A_42, %dma_start3A_52] : memref<128x200xi32, #tpu.memory_space<vmem>> -> memref<1x200xi32, #tpu.memory_space<vmem>>
    %dma_start3A_54 = tpu.memref_squeeze %dma_start3A_53 : memref<1x200xi32, #tpu.memory_space<vmem>> -> memref<200xi32, #tpu.memory_space<vmem>>
    %dma_start3A_55 = arith.constant 0 : i32
    %dma_start3A_56 = tpu.memref_slice %dma_start3A_54[%dma_start3A_55] : memref<200xi32, #tpu.memory_space<vmem>> -> memref<104xi32, #tpu.memory_space<vmem>>
    %dma_start3A_57 = arith.constant 0 : i32
    %dma_start3A_58 = arith.constant 0 : i32
    %dma_start3A_59 = tpu.memref_slice %arg3[%dma_start3A_57, %dma_start3A_58] : memref<1000000x64xf32, #tpu.memory_space<hbm>> -> memref<1000000x64xf32, #tpu.memory_space<hbm>>
    %dma_start3A_60 = tpu.memref_slice %arg9[%dma_start3A_44] : memref<2x!tpu.dma_semaphore, #tpu.memory_space<semaphore_mem>> -> memref<1x!tpu.dma_semaphore, #tpu.memory_space<semaphore_mem>>
    %dma_start3A_61 = tpu.memref_squeeze %dma_start3A_60 : memref<1x!tpu.dma_semaphore, #tpu.memory_space<semaphore_mem>> -> memref<!tpu.dma_semaphore, #tpu.memory_space<semaphore_mem>>
    tpu.enqueue_indirect_dma source(%dma_start3A_59 : memref<1000000x64xf32, #tpu.memory_space<hbm>>) target(%dma_start3A_51 : memref<104x64xf32, #tpu.memory_space<vmem>>) offsets(%dma_start3A_56 : memref<104xi32, #tpu.memory_space<vmem>>) semaphore(%dma_start3A_61 : memref<!tpu.dma_semaphore, #tpu.memory_space<semaphore_mem>>)
    %dma_start3A_62 = arith.constant 1 : i32
    %dma_start3A_63 = arith.constant 1 : i32
    %dma_start3A_64 = arith.constant 1 : i32
    %dma_start3A_65 = arith.constant 0 : i32
    %dma_start3A_66 = arith.constant 0 : i32
    %dma_start3A_67 = tpu.memref_slice %arg7[%dma_start3A_63, %dma_start3A_65, %dma_start3A_66] : memref<2x200x64xf32, #tpu.memory_space<vmem>> -> memref<1x200x64xf32, #tpu.memory_space<vmem>>
    %dma_start3A_68 = tpu.memref_squeeze %dma_start3A_67 : memref<1x200x64xf32, #tpu.memory_space<vmem>> -> memref<200x64xf32, #tpu.memory_space<vmem>>
    %dma_start3A_69 = arith.constant 104 : i32
    %dma_start3A_70 = arith.constant 0 : i32
    %dma_start3A_71 = tpu.memref_slice %dma_start3A_68[%dma_start3A_69, %dma_start3A_70] : memref<200x64xf32, #tpu.memory_space<vmem>> -> memref<96x64xf32, #tpu.memory_space<vmem>>
    %dma_start3A_72 = arith.constant 0 : i32
    %dma_start3A_73 = tpu.memref_slice %arg6[%dma_start3A_62, %dma_start3A_72] : memref<128x200xi32, #tpu.memory_space<vmem>> -> memref<1x200xi32, #tpu.memory_space<vmem>>
    %dma_start3A_74 = tpu.memref_squeeze %dma_start3A_73 : memref<1x200xi32, #tpu.memory_space<vmem>> -> memref<200xi32, #tpu.memory_space<vmem>>
    %dma_start3A_75 = arith.constant 104 : i32
    %dma_start3A_76 = tpu.memref_slice %dma_start3A_74[%dma_start3A_75] : memref<200xi32, #tpu.memory_space<vmem>> -> memref<96xi32, #tpu.memory_space<vmem>>
    %dma_start3A_77 = arith.constant 0 : i32
    %dma_start3A_78 = arith.constant 0 : i32
    %dma_start3A_79 = tpu.memref_slice %arg3[%dma_start3A_77, %dma_start3A_78] : memref<1000000x64xf32, #tpu.memory_space<hbm>> -> memref<1000000x64xf32, #tpu.memory_space<hbm>>
    %dma_start3A_80 = tpu.memref_slice %arg9[%dma_start3A_64] : memref<2x!tpu.dma_semaphore, #tpu.memory_space<semaphore_mem>> -> memref<1x!tpu.dma_semaphore, #tpu.memory_space<semaphore_mem>>
    %dma_start3A_81 = tpu.memref_squeeze %dma_start3A_80 : memref<1x!tpu.dma_semaphore, #tpu.memory_space<semaphore_mem>> -> memref<!tpu.dma_semaphore, #tpu.memory_space<semaphore_mem>>
    tpu.enqueue_indirect_dma source(%dma_start3A_79 : memref<1000000x64xf32, #tpu.memory_space<hbm>>) target(%dma_start3A_71 : memref<96x64xf32, #tpu.memory_space<vmem>>) offsets(%dma_start3A_76 : memref<96xi32, #tpu.memory_space<vmem>>) semaphore(%dma_start3A_81 : memref<!tpu.dma_semaphore, #tpu.memory_space<semaphore_mem>>)
    "tpu.region"() ({
      %run_scoped3A = tpu.sem_alloc : memref<!tpu.dma_semaphore, #tpu.memory_space<semaphore_mem>>
      tpu.enqueue_dma source(%arg4 : memref<200x64xf32, #tpu.memory_space<hbm>>) target(%arg8 : memref<200x64xf32, #tpu.memory_space<vmem>>) target_semaphore(%run_scoped3A : memref<!tpu.dma_semaphore, #tpu.memory_space<semaphore_mem>>)
      tpu.wait_dma2 semaphore(%run_scoped3A : memref<!tpu.dma_semaphore, #tpu.memory_space<semaphore_mem>>) src(%arg4 : memref<200x64xf32, #tpu.memory_space<hbm>>) dst(%arg8 : memref<200x64xf32, #tpu.memory_space<vmem>>)
      tpu.yield
    }) : () -> ()
    %scan3A = arith.constant 0 : i32
    %scan3A_82 = arith.constant 0 : i32
    %scan3A_83 = arith.constant 64 : i32
    %scan3A_84 = arith.addi %scan3A_82, %scan3A_83 : i32
    %scan3A_85 = arith.constant 1 : i32
    scf.for %scan3A_133 = %scan3A_82 to %scan3A_84 step %scan3A_85  : i32 {
      %mul3A_134 = arith.constant 2 : i32
      %mul3A_135 = arith.muli %mul3A_134, %scan3A_133 : i32
      %add3A_136 = arith.constant 0 : i32
      %add3A_137 = arith.addi %mul3A_135, %add3A_136 : i32
      %dma_wait3A_138 = arith.constant 0 : i32
      %dma_wait3A_139 = arith.constant 0 : i32
      %dma_wait3A_140 = arith.constant 0 : i32
      %dma_wait3A_141 = arith.constant 0 : i32
      %dma_wait3A_142 = tpu.memref_slice %arg7[%dma_wait3A_138, %dma_wait3A_140, %dma_wait3A_141] : memref<2x200x64xf32, #tpu.memory_space<vmem>> -> memref<1x200x64xf32, #tpu.memory_space<vmem>>
      %dma_wait3A_143 = tpu.memref_squeeze %dma_wait3A_142 : memref<1x200x64xf32, #tpu.memory_space<vmem>> -> memref<200x64xf32, #tpu.memory_space<vmem>>
      %dma_wait3A_144 = arith.constant 0 : i32
      %dma_wait3A_145 = arith.constant 0 : i32
      %dma_wait3A_146 = tpu.memref_slice %dma_wait3A_143[%dma_wait3A_144, %dma_wait3A_145] : memref<200x64xf32, #tpu.memory_space<vmem>> -> memref<104x64xf32, #tpu.memory_space<vmem>>
      %dma_wait3A_147 = arith.constant 0 : i32
      %dma_wait3A_148 = tpu.memref_slice %arg6[%add3A_137, %dma_wait3A_147] : memref<128x200xi32, #tpu.memory_space<vmem>> -> memref<1x200xi32, #tpu.memory_space<vmem>>
      %dma_wait3A_149 = tpu.memref_squeeze %dma_wait3A_148 : memref<1x200xi32, #tpu.memory_space<vmem>> -> memref<200xi32, #tpu.memory_space<vmem>>
      %dma_wait3A_150 = arith.constant 0 : i32
      %dma_wait3A_151 = tpu.memref_slice %dma_wait3A_149[%dma_wait3A_150] : memref<200xi32, #tpu.memory_space<vmem>> -> memref<104xi32, #tpu.memory_space<vmem>>
      %dma_wait3A_152 = arith.constant 0 : i32
      %dma_wait3A_153 = arith.constant 0 : i32
      %dma_wait3A_154 = tpu.memref_slice %arg3[%dma_wait3A_152, %dma_wait3A_153] : memref<1000000x64xf32, #tpu.memory_space<hbm>> -> memref<1000000x64xf32, #tpu.memory_space<hbm>>
      %dma_wait3A_155 = tpu.memref_slice %arg9[%dma_wait3A_139] : memref<2x!tpu.dma_semaphore, #tpu.memory_space<semaphore_mem>> -> memref<1x!tpu.dma_semaphore, #tpu.memory_space<semaphore_mem>>
      %dma_wait3A_156 = tpu.memref_squeeze %dma_wait3A_155 : memref<1x!tpu.dma_semaphore, #tpu.memory_space<semaphore_mem>> -> memref<!tpu.dma_semaphore, #tpu.memory_space<semaphore_mem>>
      tpu.wait_indirect_dma semaphore(%dma_wait3A_156 : memref<!tpu.dma_semaphore, #tpu.memory_space<semaphore_mem>>) src(%dma_wait3A_154 : memref<1000000x64xf32, #tpu.memory_space<hbm>>) dst(%dma_wait3A_146 : memref<104x64xf32, #tpu.memory_space<vmem>>)
      %dma_wait3A_157 = arith.constant 0 : i32
      %dma_wait3A_158 = arith.constant 0 : i32
      %dma_wait3A_159 = arith.constant 0 : i32
      %dma_wait3A_160 = arith.constant 0 : i32
      %dma_wait3A_161 = tpu.memref_slice %arg7[%dma_wait3A_157, %dma_wait3A_159, %dma_wait3A_160] : memref<2x200x64xf32, #tpu.memory_space<vmem>> -> memref<1x200x64xf32, #tpu.memory_space<vmem>>
      %dma_wait3A_162 = tpu.memref_squeeze %dma_wait3A_161 : memref<1x200x64xf32, #tpu.memory_space<vmem>> -> memref<200x64xf32, #tpu.memory_space<vmem>>
      %dma_wait3A_163 = arith.constant 104 : i32
      %dma_wait3A_164 = arith.constant 0 : i32
      %dma_wait3A_165 = tpu.memref_slice %dma_wait3A_162[%dma_wait3A_163, %dma_wait3A_164] : memref<200x64xf32, #tpu.memory_space<vmem>> -> memref<96x64xf32, #tpu.memory_space<vmem>>
      %dma_wait3A_166 = arith.constant 0 : i32
      %dma_wait3A_167 = tpu.memref_slice %arg6[%add3A_137, %dma_wait3A_166] : memref<128x200xi32, #tpu.memory_space<vmem>> -> memref<1x200xi32, #tpu.memory_space<vmem>>
      %dma_wait3A_168 = tpu.memref_squeeze %dma_wait3A_167 : memref<1x200xi32, #tpu.memory_space<vmem>> -> memref<200xi32, #tpu.memory_space<vmem>>
      %dma_wait3A_169 = arith.constant 104 : i32
      %dma_wait3A_170 = tpu.memref_slice %dma_wait3A_168[%dma_wait3A_169] : memref<200xi32, #tpu.memory_space<vmem>> -> memref<96xi32, #tpu.memory_space<vmem>>
      %dma_wait3A_171 = arith.constant 0 : i32
      %dma_wait3A_172 = arith.constant 0 : i32
      %dma_wait3A_173 = tpu.memref_slice %arg3[%dma_wait3A_171, %dma_wait3A_172] : memref<1000000x64xf32, #tpu.memory_space<hbm>> -> memref<1000000x64xf32, #tpu.memory_space<hbm>>
      %dma_wait3A_174 = tpu.memref_slice %arg9[%dma_wait3A_158] : memref<2x!tpu.dma_semaphore, #tpu.memory_space<semaphore_mem>> -> memref<1x!tpu.dma_semaphore, #tpu.memory_space<semaphore_mem>>
      %dma_wait3A_175 = tpu.memref_squeeze %dma_wait3A_174 : memref<1x!tpu.dma_semaphore, #tpu.memory_space<semaphore_mem>> -> memref<!tpu.dma_semaphore, #tpu.memory_space<semaphore_mem>>
      tpu.wait_indirect_dma semaphore(%dma_wait3A_175 : memref<!tpu.dma_semaphore, #tpu.memory_space<semaphore_mem>>) src(%dma_wait3A_173 : memref<1000000x64xf32, #tpu.memory_space<hbm>>) dst(%dma_wait3A_165 : memref<96x64xf32, #tpu.memory_space<vmem>>)
      %gt3A = arith.constant 0 : i32
      %gt3A_176 = arith.cmpi sgt, %scan3A_133, %gt3A : i32
      %convert_element_type3A = arith.extui %gt3A_176 : i1 to i32
      %cond3A = arith.constant 0 : i32
      %cond3A_177 = arith.cmpi ne, %convert_element_type3A, %cond3A : i32
      scf.if %cond3A_177 {
        %add3A_288 = arith.addi %mul3A_2, %add3A_137 : i32
        %sub3A_289 = arith.constant 2 : i32
        %sub3A_290 = arith.subi %add3A_288, %sub3A_289 : i32
        %dma_wait3A_291 = arith.constant 0 : i32
        %dma_wait3A_292 = arith.constant 0 : i32
        %dma_wait3A_293 = arith.constant 0 : i32
        %dma_wait3A_294 = arith.constant 0 : i32
        %dma_wait3A_295 = tpu.memref_slice %arg7[%dma_wait3A_291, %dma_wait3A_293, %dma_wait3A_294] : memref<2x200x64xf32, #tpu.memory_space<vmem>> -> memref<1x200x64xf32, #tpu.memory_space<vmem>>
        %dma_wait3A_296 = tpu.memref_squeeze %dma_wait3A_295 : memref<1x200x64xf32, #tpu.memory_space<vmem>> -> memref<200x64xf32, #tpu.memory_space<vmem>>
        %dma_wait3A_297 = arith.constant 0 : i32
        %dma_wait3A_298 = arith.constant 0 : i32
        %dma_wait3A_299 = tpu.memref_slice %arg5[%sub3A_290, %dma_wait3A_297, %dma_wait3A_298] : memref<4096x200x64xf32, #tpu.memory_space<hbm>> -> memref<1x200x64xf32, #tpu.memory_space<hbm>>
        %dma_wait3A_300 = tpu.memref_squeeze %dma_wait3A_299 : memref<1x200x64xf32, #tpu.memory_space<hbm>> -> memref<200x64xf32, #tpu.memory_space<hbm>>
        %dma_wait3A_301 = tpu.memref_slice %arg10[%dma_wait3A_292] : memref<2x!tpu.dma_semaphore, #tpu.memory_space<semaphore_mem>> -> memref<1x!tpu.dma_semaphore, #tpu.memory_space<semaphore_mem>>
        %dma_wait3A_302 = tpu.memref_squeeze %dma_wait3A_301 : memref<1x!tpu.dma_semaphore, #tpu.memory_space<semaphore_mem>> -> memref<!tpu.dma_semaphore, #tpu.memory_space<semaphore_mem>>
        %dma_wait3A_303 = arith.constant 0 : i32
        %dma_wait3A_304 = arith.constant 0 : i32
        %dma_wait3A_305 = tpu.memref_slice %arg5[%sub3A_290, %dma_wait3A_303, %dma_wait3A_304] : memref<4096x200x64xf32, #tpu.memory_space<hbm>> -> memref<1x200x64xf32, #tpu.memory_space<hbm>>
        %dma_wait3A_306 = tpu.memref_squeeze %dma_wait3A_305 : memref<1x200x64xf32, #tpu.memory_space<hbm>> -> memref<200x64xf32, #tpu.memory_space<hbm>>
        %dma_wait3A_307 = arith.constant 0 : i32
        %dma_wait3A_308 = arith.constant 0 : i32
        %dma_wait3A_309 = tpu.memref_slice %arg7[%dma_wait3A_291, %dma_wait3A_307, %dma_wait3A_308] : memref<2x200x64xf32, #tpu.memory_space<vmem>> -> memref<1x200x64xf32, #tpu.memory_space<vmem>>
        %dma_wait3A_310 = tpu.memref_squeeze %dma_wait3A_309 : memref<1x200x64xf32, #tpu.memory_space<vmem>> -> memref<200x64xf32, #tpu.memory_space<vmem>>
        tpu.wait_dma2 semaphore(%dma_wait3A_302 : memref<!tpu.dma_semaphore, #tpu.memory_space<semaphore_mem>>) src(%dma_wait3A_310 : memref<200x64xf32, #tpu.memory_space<vmem>>) dst(%dma_wait3A_306 : memref<200x64xf32, #tpu.memory_space<hbm>>)
      } else {
      }
      %scan3A_178 = arith.constant 0 : i32
      %scan3A_179 = arith.constant 0 : i32
      %scan3A_180 = arith.constant 25 : i32
      %scan3A_181 = arith.addi %scan3A_179, %scan3A_180 : i32
      %scan3A_182 = arith.constant 1 : i32
      scf.for %scan3A_288 = %scan3A_179 to %scan3A_181 step %scan3A_182  : i32 {
        %mul3A_289 = arith.constant 8 : i32
        %mul3A_290 = arith.muli %scan3A_288, %mul3A_289 : i32
        %add3A_291 = arith.constant 0 : i32
        %add3A_292 = arith.addi %mul3A_290, %add3A_291 : i32
        %get3A = arith.index_cast %add3A_292 : i32 to index
        %get3A_293 = arith.constant 0 : index
        %get3A_294 = tpu.vector_load %arg8[%get3A, %get3A_293] {strides = array<i32>} : memref<200x64xf32, #tpu.memory_space<vmem>>, vector<16xf32>,
        %swap3A = arith.constant 0 : i32
        %swap3A_295 = arith.constant 0 : i32
        %swap3A_296 = arith.constant 0 : i32
        %swap3A_297 = tpu.memref_slice %arg7[%swap3A, %swap3A_295, %swap3A_296] : memref<2x200x64xf32, #tpu.memory_space<vmem>> -> memref<1x200x64xf32, #tpu.memory_space<vmem>>
        %swap3A_298 = tpu.memref_squeeze %swap3A_297 : memref<1x200x64xf32, #tpu.memory_space<vmem>> -> memref<200x64xf32, #tpu.memory_space<vmem>>
        %swap3A_299 = arith.constant 0 : i32
        %swap3A_300 = tpu.memref_slice %swap3A_298[%add3A_292, %swap3A_299] : memref<200x64xf32, #tpu.memory_space<vmem>> -> memref<1x64xf32, #tpu.memory_space<vmem>>
        %swap3A_301 = tpu.memref_squeeze %swap3A_300 : memref<1x64xf32, #tpu.memory_space<vmem>> -> memref<64xf32, #tpu.memory_space<vmem>>
        %swap3A_302 = arith.constant 0 : index
        %swap3A_303 = tpu.vector_load %swap3A_301[%swap3A_302] {strides = array<i32>} : memref<64xf32, #tpu.memory_space<vmem>>, vector<16xf32>,
        tpu.vector_store %swap3A_301[%swap3A_302], %get3A_294 {add = true, strides = array<i32>} : memref<64xf32, #tpu.memory_space<vmem>>, vector<16xf32>,
        %get3A_304 = arith.index_cast %add3A_292 : i32 to index
        %get3A_305 = arith.constant 16 : index
        %get3A_306 = tpu.vector_load %arg8[%get3A_304, %get3A_305] {strides = array<i32>} : memref<200x64xf32, #tpu.memory_space<vmem>>, vector<16xf32>,
        %swap3A_307 = arith.constant 0 : i32
        %swap3A_308 = arith.constant 0 : i32
        %swap3A_309 = arith.constant 0 : i32
        %swap3A_310 = tpu.memref_slice %arg7[%swap3A_307, %swap3A_308, %swap3A_309] : memref<2x200x64xf32, #tpu.memory_space<vmem>> -> memref<1x200x64xf32, #tpu.memory_space<vmem>>
        %swap3A_311 = tpu.memref_squeeze %swap3A_310 : memref<1x200x64xf32, #tpu.memory_space<vmem>> -> memref<200x64xf32, #tpu.memory_space<vmem>>
        %swap3A_312 = arith.constant 0 : i32
        %swap3A_313 = tpu.memref_slice %swap3A_311[%add3A_292, %swap3A_312] : memref<200x64xf32, #tpu.memory_space<vmem>> -> memref<1x64xf32, #tpu.memory_space<vmem>>
        %swap3A_314 = tpu.memref_squeeze %swap3A_313 : memref<1x64xf32, #tpu.memory_space<vmem>> -> memref<64xf32, #tpu.memory_space<vmem>>
        %swap3A_315 = arith.constant 16 : index
        %swap3A_316 = tpu.vector_load %swap3A_314[%swap3A_315] {strides = array<i32>} : memref<64xf32, #tpu.memory_space<vmem>>, vector<16xf32>,
        tpu.vector_store %swap3A_314[%swap3A_315], %get3A_306 {add = true, strides = array<i32>} : memref<64xf32, #tpu.memory_space<vmem>>, vector<16xf32>,
        %get3A_317 = arith.index_cast %add3A_292 : i32 to index
        %get3A_318 = arith.constant 32 : index
        %get3A_319 = tpu.vector_load %arg8[%get3A_317, %get3A_318] {strides = array<i32>} : memref<200x64xf32, #tpu.memory_space<vmem>>, vector<16xf32>,
        %swap3A_320 = arith.constant 0 : i32
        %swap3A_321 = arith.constant 0 : i32
        %swap3A_322 = arith.constant 0 : i32
        %swap3A_323 = tpu.memref_slice %arg7[%swap3A_320, %swap3A_321, %swap3A_322] : memref<2x200x64xf32, #tpu.memory_space<vmem>> -> memref<1x200x64xf32, #tpu.memory_space<vmem>>
        %swap3A_324 = tpu.memref_squeeze %swap3A_323 : memref<1x200x64xf32, #tpu.memory_space<vmem>> -> memref<200x64xf32, #tpu.memory_space<vmem>>
        %swap3A_325 = arith.constant 0 : i32
        %swap3A_326 = tpu.memref_slice %swap3A_324[%add3A_292, %swap3A_325] : memref<200x64xf32, #tpu.memory_space<vmem>> -> memref<1x64xf32, #tpu.memory_space<vmem>>
        %swap3A_327 = tpu.memref_squeeze %swap3A_326 : memref<1x64xf32, #tpu.memory_space<vmem>> -> memref<64xf32, #tpu.memory_space<vmem>>
        %swap3A_328 = arith.constant 32 : index
        %swap3A_329 = tpu.vector_load %swap3A_327[%swap3A_328] {strides = array<i32>} : memref<64xf32, #tpu.memory_space<vmem>>, vector<16xf32>,
        tpu.vector_store %swap3A_327[%swap3A_328], %get3A_319 {add = true, strides = array<i32>} : memref<64xf32, #tpu.memory_space<vmem>>, vector<16xf32>,
        %get3A_330 = arith.index_cast %add3A_292 : i32 to index
        %get3A_331 = arith.constant 48 : index
        %get3A_332 = tpu.vector_load %arg8[%get3A_330, %get3A_331] {strides = array<i32>} : memref<200x64xf32, #tpu.memory_space<vmem>>, vector<16xf32>,
        %swap3A_333 = arith.constant 0 : i32
        %swap3A_334 = arith.constant 0 : i32
        %swap3A_335 = arith.constant 0 : i32
        %swap3A_336 = tpu.memref_slice %arg7[%swap3A_333, %swap3A_334, %swap3A_335] : memref<2x200x64xf32, #tpu.memory_space<vmem>> -> memref<1x200x64xf32, #tpu.memory_space<vmem>>
        %swap3A_337 = tpu.memref_squeeze %swap3A_336 : memref<1x200x64xf32, #tpu.memory_space<vmem>> -> memref<200x64xf32, #tpu.memory_space<vmem>>
        %swap3A_338 = arith.constant 0 : i32
        %swap3A_339 = tpu.memref_slice %swap3A_337[%add3A_292, %swap3A_338] : memref<200x64xf32, #tpu.memory_space<vmem>> -> memref<1x64xf32, #tpu.memory_space<vmem>>
        %swap3A_340 = tpu.memref_squeeze %swap3A_339 : memref<1x64xf32, #tpu.memory_space<vmem>> -> memref<64xf32, #tpu.memory_space<vmem>>
        %swap3A_341 = arith.constant 48 : index
        %swap3A_342 = tpu.vector_load %swap3A_340[%swap3A_341] {strides = array<i32>} : memref<64xf32, #tpu.memory_space<vmem>>, vector<16xf32>,
        tpu.vector_store %swap3A_340[%swap3A_341], %get3A_332 {add = true, strides = array<i32>} : memref<64xf32, #tpu.memory_space<vmem>>, vector<16xf32>,
        %add3A_343 = arith.constant 1 : i32
        %add3A_344 = arith.addi %mul3A_290, %add3A_343 : i32
        %get3A_345 = arith.index_cast %add3A_344 : i32 to index
        %get3A_346 = arith.constant 0 : index
        %get3A_347 = tpu.vector_load %arg8[%get3A_345, %get3A_346] {strides = array<i32>} : memref<200x64xf32, #tpu.memory_space<vmem>>, vector<16xf32>,
        %swap3A_348 = arith.constant 0 : i32
        %swap3A_349 = arith.constant 0 : i32
        %swap3A_350 = arith.constant 0 : i32
        %swap3A_351 = tpu.memref_slice %arg7[%swap3A_348, %swap3A_349, %swap3A_350] : memref<2x200x64xf32, #tpu.memory_space<vmem>> -> memref<1x200x64xf32, #tpu.memory_space<vmem>>
        %swap3A_352 = tpu.memref_squeeze %swap3A_351 : memref<1x200x64xf32, #tpu.memory_space<vmem>> -> memref<200x64xf32, #tpu.memory_space<vmem>>
        %swap3A_353 = arith.constant 0 : i32
        %swap3A_354 = tpu.memref_slice %swap3A_352[%add3A_344, %swap3A_353] : memref<200x64xf32, #tpu.memory_space<vmem>> -> memref<1x64xf32, #tpu.memory_space<vmem>>
        %swap3A_355 = tpu.memref_squeeze %swap3A_354 : memref<1x64xf32, #tpu.memory_space<vmem>> -> memref<64xf32, #tpu.memory_space<vmem>>
        %swap3A_356 = arith.constant 0 : index
        %swap3A_357 = tpu.vector_load %swap3A_355[%swap3A_356] {strides = array<i32>} : memref<64xf32, #tpu.memory_space<vmem>>, vector<16xf32>,
        tpu.vector_store %swap3A_355[%swap3A_356], %get3A_347 {add = true, strides = array<i32>} : memref<64xf32, #tpu.memory_space<vmem>>, vector<16xf32>,
        %get3A_358 = arith.index_cast %add3A_344 : i32 to index
        %get3A_359 = arith.constant 16 : index
        %get3A_360 = tpu.vector_load %arg8[%get3A_358, %get3A_359] {strides = array<i32>} : memref<200x64xf32, #tpu.memory_space<vmem>>, vector<16xf32>,
        %swap3A_361 = arith.constant 0 : i32
        %swap3A_362 = arith.constant 0 : i32
        %swap3A_363 = arith.constant 0 : i32
        %swap3A_364 = tpu.memref_slice %arg7[%swap3A_361, %swap3A_362, %swap3A_363] : memref<2x200x64xf32, #tpu.memory_space<vmem>> -> memref<1x200x64xf32, #tpu.memory_space<vmem>>
        %swap3A_365 = tpu.memref_squeeze %swap3A_364 : memref<1x200x64xf32, #tpu.memory_space<vmem>> -> memref<200x64xf32, #tpu.memory_space<vmem>>
        %swap3A_366 = arith.constant 0 : i32
        %swap3A_367 = tpu.memref_slice %swap3A_365[%add3A_344, %swap3A_366] : memref<200x64xf32, #tpu.memory_space<vmem>> -> memref<1x64xf32, #tpu.memory_space<vmem>>
        %swap3A_368 = tpu.memref_squeeze %swap3A_367 : memref<1x64xf32, #tpu.memory_space<vmem>> -> memref<64xf32, #tpu.memory_space<vmem>>
        %swap3A_369 = arith.constant 16 : index
        %swap3A_370 = tpu.vector_load %swap3A_368[%swap3A_369] {strides = array<i32>} : memref<64xf32, #tpu.memory_space<vmem>>, vector<16xf32>,
        tpu.vector_store %swap3A_368[%swap3A_369], %get3A_360 {add = true, strides = array<i32>} : memref<64xf32, #tpu.memory_space<vmem>>, vector<16xf32>,
        %get3A_371 = arith.index_cast %add3A_344 : i32 to index
        %get3A_372 = arith.constant 32 : index
        %get3A_373 = tpu.vector_load %arg8[%get3A_371, %get3A_372] {strides = array<i32>} : memref<200x64xf32, #tpu.memory_space<vmem>>, vector<16xf32>,
        %swap3A_374 = arith.constant 0 : i32
        %swap3A_375 = arith.constant 0 : i32
        %swap3A_376 = arith.constant 0 : i32
        %swap3A_377 = tpu.memref_slice %arg7[%swap3A_374, %swap3A_375, %swap3A_376] : memref<2x200x64xf32, #tpu.memory_space<vmem>> -> memref<1x200x64xf32, #tpu.memory_space<vmem>>
        %swap3A_378 = tpu.memref_squeeze %swap3A_377 : memref<1x200x64xf32, #tpu.memory_space<vmem>> -> memref<200x64xf32, #tpu.memory_space<vmem>>
        %swap3A_379 = arith.constant 0 : i32
        %swap3A_380 = tpu.memref_slice %swap3A_378[%add3A_344, %swap3A_379] : memref<200x64xf32, #tpu.memory_space<vmem>> -> memref<1x64xf32, #tpu.memory_space<vmem>>
        %swap3A_381 = tpu.memref_squeeze %swap3A_380 : memref<1x64xf32, #tpu.memory_space<vmem>> -> memref<64xf32, #tpu.memory_space<vmem>>
        %swap3A_382 = arith.constant 32 : index
        %swap3A_383 = tpu.vector_load %swap3A_381[%swap3A_382] {strides = array<i32>} : memref<64xf32, #tpu.memory_space<vmem>>, vector<16xf32>,
        tpu.vector_store %swap3A_381[%swap3A_382], %get3A_373 {add = true, strides = array<i32>} : memref<64xf32, #tpu.memory_space<vmem>>, vector<16xf32>,
        %get3A_384 = arith.index_cast %add3A_344 : i32 to index
        %get3A_385 = arith.constant 48 : index
        %get3A_386 = tpu.vector_load %arg8[%get3A_384, %get3A_385] {strides = array<i32>} : memref<200x64xf32, #tpu.memory_space<vmem>>, vector<16xf32>,
        %swap3A_387 = arith.constant 0 : i32
        %swap3A_388 = arith.constant 0 : i32
        %swap3A_389 = arith.constant 0 : i32
        %swap3A_390 = tpu.memref_slice %arg7[%swap3A_387, %swap3A_388, %swap3A_389] : memref<2x200x64xf32, #tpu.memory_space<vmem>> -> memref<1x200x64xf32, #tpu.memory_space<vmem>>
        %swap3A_391 = tpu.memref_squeeze %swap3A_390 : memref<1x200x64xf32, #tpu.memory_space<vmem>> -> memref<200x64xf32, #tpu.memory_space<vmem>>
        %swap3A_392 = arith.constant 0 : i32
        %swap3A_393 = tpu.memref_slice %swap3A_391[%add3A_344, %swap3A_392] : memref<200x64xf32, #tpu.memory_space<vmem>> -> memref<1x64xf32, #tpu.memory_space<vmem>>
        %swap3A_394 = tpu.memref_squeeze %swap3A_393 : memref<1x64xf32, #tpu.memory_space<vmem>> -> memref<64xf32, #tpu.memory_space<vmem>>
        %swap3A_395 = arith.constant 48 : index
        %swap3A_396 = tpu.vector_load %swap3A_394[%swap3A_395] {strides = array<i32>} : memref<64xf32, #tpu.memory_space<vmem>>, vector<16xf32>,
        tpu.vector_store %swap3A_394[%swap3A_395], %get3A_386 {add = true, strides = array<i32>} : memref<64xf32, #tpu.memory_space<vmem>>, vector<16xf32>,
        %add3A_397 = arith.constant 2 : i32
        %add3A_398 = arith.addi %mul3A_290, %add3A_397 : i32
        %get3A_399 = arith.index_cast %add3A_398 : i32 to index
        %get3A_400 = arith.constant 0 : index
        %get3A_401 = tpu.vector_load %arg8[%get3A_399, %get3A_400] {strides = array<i32>} : memref<200x64xf32, #tpu.memory_space<vmem>>, vector<16xf32>,
        %swap3A_402 = arith.constant 0 : i32
        %swap3A_403 = arith.constant 0 : i32
        %swap3A_404 = arith.constant 0 : i32
        %swap3A_405 = tpu.memref_slice %arg7[%swap3A_402, %swap3A_403, %swap3A_404] : memref<2x200x64xf32, #tpu.memory_space<vmem>> -> memref<1x200x64xf32, #tpu.memory_space<vmem>>
        %swap3A_406 = tpu.memref_squeeze %swap3A_405 : memref<1x200x64xf32, #tpu.memory_space<vmem>> -> memref<200x64xf32, #tpu.memory_space<vmem>>
        %swap3A_407 = arith.constant 0 : i32
        %swap3A_408 = tpu.memref_slice %swap3A_406[%add3A_398, %swap3A_407] : memref<200x64xf32, #tpu.memory_space<vmem>> -> memref<1x64xf32, #tpu.memory_space<vmem>>
        %swap3A_409 = tpu.memref_squeeze %swap3A_408 : memref<1x64xf32, #tpu.memory_space<vmem>> -> memref<64xf32, #tpu.memory_space<vmem>>
        %swap3A_410 = arith.constant 0 : index
        %swap3A_411 = tpu.vector_load %swap3A_409[%swap3A_410] {strides = array<i32>} : memref<64xf32, #tpu.memory_space<vmem>>, vector<16xf32>,
        tpu.vector_store %swap3A_409[%swap3A_410], %get3A_401 {add = true, strides = array<i32>} : memref<64xf32, #tpu.memory_space<vmem>>, vector<16xf32>,
        %get3A_412 = arith.index_cast %add3A_398 : i32 to index
        %get3A_413 = arith.constant 16 : index
        %get3A_414 = tpu.vector_load %arg8[%get3A_412, %get3A_413] {strides = array<i32>} : memref<200x64xf32, #tpu.memory_space<vmem>>, vector<16xf32>,
        %swap3A_415 = arith.constant 0 : i32
        %swap3A_416 = arith.constant 0 : i32
        %swap3A_417 = arith.constant 0 : i32
        %swap3A_418 = tpu.memref_slice %arg7[%swap3A_415, %swap3A_416, %swap3A_417] : memref<2x200x64xf32, #tpu.memory_space<vmem>> -> memref<1x200x64xf32, #tpu.memory_space<vmem>>
        %swap3A_419 = tpu.memref_squeeze %swap3A_418 : memref<1x200x64xf32, #tpu.memory_space<vmem>> -> memref<200x64xf32, #tpu.memory_space<vmem>>
        %swap3A_420 = arith.constant 0 : i32
        %swap3A_421 = tpu.memref_slice %swap3A_419[%add3A_398, %swap3A_420] : memref<200x64xf32, #tpu.memory_space<vmem>> -> memref<1x64xf32, #tpu.memory_space<vmem>>
        %swap3A_422 = tpu.memref_squeeze %swap3A_421 : memref<1x64xf32, #tpu.memory_space<vmem>> -> memref<64xf32, #tpu.memory_space<vmem>>
        %swap3A_423 = arith.constant 16 : index
        %swap3A_424 = tpu.vector_load %swap3A_422[%swap3A_423] {strides = array<i32>} : memref<64xf32, #tpu.memory_space<vmem>>, vector<16xf32>,
        tpu.vector_store %swap3A_422[%swap3A_423], %get3A_414 {add = true, strides = array<i32>} : memref<64xf32, #tpu.memory_space<vmem>>, vector<16xf32>,
        %get3A_425 = arith.index_cast %add3A_398 : i32 to index
        %get3A_426 = arith.constant 32 : index
        %get3A_427 = tpu.vector_load %arg8[%get3A_425, %get3A_426] {strides = array<i32>} : memref<200x64xf32, #tpu.memory_space<vmem>>, vector<16xf32>,
        %swap3A_428 = arith.constant 0 : i32
        %swap3A_429 = arith.constant 0 : i32
        %swap3A_430 = arith.constant 0 : i32
        %swap3A_431 = tpu.memref_slice %arg7[%swap3A_428, %swap3A_429, %swap3A_430] : memref<2x200x64xf32, #tpu.memory_space<vmem>> -> memref<1x200x64xf32, #tpu.memory_space<vmem>>
        %swap3A_432 = tpu.memref_squeeze %swap3A_431 : memref<1x200x64xf32, #tpu.memory_space<vmem>> -> memref<200x64xf32, #tpu.memory_space<vmem>>
        %swap3A_433 = arith.constant 0 : i32
        %swap3A_434 = tpu.memref_slice %swap3A_432[%add3A_398, %swap3A_433] : memref<200x64xf32, #tpu.memory_space<vmem>> -> memref<1x64xf32, #tpu.memory_space<vmem>>
        %swap3A_435 = tpu.memref_squeeze %swap3A_434 : memref<1x64xf32, #tpu.memory_space<vmem>> -> memref<64xf32, #tpu.memory_space<vmem>>
        %swap3A_436 = arith.constant 32 : index
        %swap3A_437 = tpu.vector_load %swap3A_435[%swap3A_436] {strides = array<i32>} : memref<64xf32, #tpu.memory_space<vmem>>, vector<16xf32>,
        tpu.vector_store %swap3A_435[%swap3A_436], %get3A_427 {add = true, strides = array<i32>} : memref<64xf32, #tpu.memory_space<vmem>>, vector<16xf32>,
        %get3A_438 = arith.index_cast %add3A_398 : i32 to index
        %get3A_439 = arith.constant 48 : index
        %get3A_440 = tpu.vector_load %arg8[%get3A_438, %get3A_439] {strides = array<i32>} : memref<200x64xf32, #tpu.memory_space<vmem>>, vector<16xf32>,
        %swap3A_441 = arith.constant 0 : i32
        %swap3A_442 = arith.constant 0 : i32
        %swap3A_443 = arith.constant 0 : i32
        %swap3A_444 = tpu.memref_slice %arg7[%swap3A_441, %swap3A_442, %swap3A_443] : memref<2x200x64xf32, #tpu.memory_space<vmem>> -> memref<1x200x64xf32, #tpu.memory_space<vmem>>
        %swap3A_445 = tpu.memref_squeeze %swap3A_444 : memref<1x200x64xf32, #tpu.memory_space<vmem>> -> memref<200x64xf32, #tpu.memory_space<vmem>>
        %swap3A_446 = arith.constant 0 : i32
        %swap3A_447 = tpu.memref_slice %swap3A_445[%add3A_398, %swap3A_446] : memref<200x64xf32, #tpu.memory_space<vmem>> -> memref<1x64xf32, #tpu.memory_space<vmem>>
        %swap3A_448 = tpu.memref_squeeze %swap3A_447 : memref<1x64xf32, #tpu.memory_space<vmem>> -> memref<64xf32, #tpu.memory_space<vmem>>
        %swap3A_449 = arith.constant 48 : index
        %swap3A_450 = tpu.vector_load %swap3A_448[%swap3A_449] {strides = array<i32>} : memref<64xf32, #tpu.memory_space<vmem>>, vector<16xf32>,
        tpu.vector_store %swap3A_448[%swap3A_449], %get3A_440 {add = true, strides = array<i32>} : memref<64xf32, #tpu.memory_space<vmem>>, vector<16xf32>,
        %add3A_451 = arith.constant 3 : i32
        %add3A_452 = arith.addi %mul3A_290, %add3A_451 : i32
        %get3A_453 = arith.index_cast %add3A_452 : i32 to index
        %get3A_454 = arith.constant 0 : index
        %get3A_455 = tpu.vector_load %arg8[%get3A_453, %get3A_454] {strides = array<i32>} : memref<200x64xf32, #tpu.memory_space<vmem>>, vector<16xf32>,
        %swap3A_456 = arith.constant 0 : i32
        %swap3A_457 = arith.constant 0 : i32
        %swap3A_458 = arith.constant 0 : i32
        %swap3A_459 = tpu.memref_slice %arg7[%swap3A_456, %swap3A_457, %swap3A_458] : memref<2x200x64xf32, #tpu.memory_space<vmem>> -> memref<1x200x64xf32, #tpu.memory_space<vmem>>
        %swap3A_460 = tpu.memref_squeeze %swap3A_459 : memref<1x200x64xf32, #tpu.memory_space<vmem>> -> memref<200x64xf32, #tpu.memory_space<vmem>>
        %swap3A_461 = arith.constant 0 : i32
        %swap3A_462 = tpu.memref_slice %swap3A_460[%add3A_452, %swap3A_461] : memref<200x64xf32, #tpu.memory_space<vmem>> -> memref<1x64xf32, #tpu.memory_space<vmem>>
        %swap3A_463 = tpu.memref_squeeze %swap3A_462 : memref<1x64xf32, #tpu.memory_space<vmem>> -> memref<64xf32, #tpu.memory_space<vmem>>
        %swap3A_464 = arith.constant 0 : index
        %swap3A_465 = tpu.vector_load %swap3A_463[%swap3A_464] {strides = array<i32>} : memref<64xf32, #tpu.memory_space<vmem>>, vector<16xf32>,
        tpu.vector_store %swap3A_463[%swap3A_464], %get3A_455 {add = true, strides = array<i32>} : memref<64xf32, #tpu.memory_space<vmem>>, vector<16xf32>,
        %get3A_466 = arith.index_cast %add3A_452 : i32 to index
        %get3A_467 = arith.constant 16 : index
        %get3A_468 = tpu.vector_load %arg8[%get3A_466, %get3A_467] {strides = array<i32>} : memref<200x64xf32, #tpu.memory_space<vmem>>, vector<16xf32>,
        %swap3A_469 = arith.constant 0 : i32
        %swap3A_470 = arith.constant 0 : i32
        %swap3A_471 = arith.constant 0 : i32
        %swap3A_472 = tpu.memref_slice %arg7[%swap3A_469, %swap3A_470, %swap3A_471] : memref<2x200x64xf32, #tpu.memory_space<vmem>> -> memref<1x200x64xf32, #tpu.memory_space<vmem>>
        %swap3A_473 = tpu.memref_squeeze %swap3A_472 : memref<1x200x64xf32, #tpu.memory_space<vmem>> -> memref<200x64xf32, #tpu.memory_space<vmem>>
        %swap3A_474 = arith.constant 0 : i32
        %swap3A_475 = tpu.memref_slice %swap3A_473[%add3A_452, %swap3A_474] : memref<200x64xf32, #tpu.memory_space<vmem>> -> memref<1x64xf32, #tpu.memory_space<vmem>>
        %swap3A_476 = tpu.memref_squeeze %swap3A_475 : memref<1x64xf32, #tpu.memory_space<vmem>> -> memref<64xf32, #tpu.memory_space<vmem>>
        %swap3A_477 = arith.constant 16 : index
        %swap3A_478 = tpu.vector_load %swap3A_476[%swap3A_477] {strides = array<i32>} : memref<64xf32, #tpu.memory_space<vmem>>, vector<16xf32>,
        tpu.vector_store %swap3A_476[%swap3A_477], %get3A_468 {add = true, strides = array<i32>} : memref<64xf32, #tpu.memory_space<vmem>>, vector<16xf32>,
        %get3A_479 = arith.index_cast %add3A_452 : i32 to index
        %get3A_480 = arith.constant 32 : index
        %get3A_481 = tpu.vector_load %arg8[%get3A_479, %get3A_480] {strides = array<i32>} : memref<200x64xf32, #tpu.memory_space<vmem>>, vector<16xf32>,
        %swap3A_482 = arith.constant 0 : i32
        %swap3A_483 = arith.constant 0 : i32
        %swap3A_484 = arith.constant 0 : i32
        %swap3A_485 = tpu.memref_slice %arg7[%swap3A_482, %swap3A_483, %swap3A_484] : memref<2x200x64xf32, #tpu.memory_space<vmem>> -> memref<1x200x64xf32, #tpu.memory_space<vmem>>
        %swap3A_486 = tpu.memref_squeeze %swap3A_485 : memref<1x200x64xf32, #tpu.memory_space<vmem>> -> memref<200x64xf32, #tpu.memory_space<vmem>>
        %swap3A_487 = arith.constant 0 : i32
        %swap3A_488 = tpu.memref_slice %swap3A_486[%add3A_452, %swap3A_487] : memref<200x64xf32, #tpu.memory_space<vmem>> -> memref<1x64xf32, #tpu.memory_space<vmem>>
        %swap3A_489 = tpu.memref_squeeze %swap3A_488 : memref<1x64xf32, #tpu.memory_space<vmem>> -> memref<64xf32, #tpu.memory_space<vmem>>
        %swap3A_490 = arith.constant 32 : index
        %swap3A_491 = tpu.vector_load %swap3A_489[%swap3A_490] {strides = array<i32>} : memref<64xf32, #tpu.memory_space<vmem>>, vector<16xf32>,
        tpu.vector_store %swap3A_489[%swap3A_490], %get3A_481 {add = true, strides = array<i32>} : memref<64xf32, #tpu.memory_space<vmem>>, vector<16xf32>,
        %get3A_492 = arith.index_cast %add3A_452 : i32 to index
        %get3A_493 = arith.constant 48 : index
        %get3A_494 = tpu.vector_load %arg8[%get3A_492, %get3A_493] {strides = array<i32>} : memref<200x64xf32, #tpu.memory_space<vmem>>, vector<16xf32>,
        %swap3A_495 = arith.constant 0 : i32
        %swap3A_496 = arith.constant 0 : i32
        %swap3A_497 = arith.constant 0 : i32
        %swap3A_498 = tpu.memref_slice %arg7[%swap3A_495, %swap3A_496, %swap3A_497] : memref<2x200x64xf32, #tpu.memory_space<vmem>> -> memref<1x200x64xf32, #tpu.memory_space<vmem>>
        %swap3A_499 = tpu.memref_squeeze %swap3A_498 : memref<1x200x64xf32, #tpu.memory_space<vmem>> -> memref<200x64xf32, #tpu.memory_space<vmem>>
        %swap3A_500 = arith.constant 0 : i32
        %swap3A_501 = tpu.memref_slice %swap3A_499[%add3A_452, %swap3A_500] : memref<200x64xf32, #tpu.memory_space<vmem>> -> memref<1x64xf32, #tpu.memory_space<vmem>>
        %swap3A_502 = tpu.memref_squeeze %swap3A_501 : memref<1x64xf32, #tpu.memory_space<vmem>> -> memref<64xf32, #tpu.memory_space<vmem>>
        %swap3A_503 = arith.constant 48 : index
        %swap3A_504 = tpu.vector_load %swap3A_502[%swap3A_503] {strides = array<i32>} : memref<64xf32, #tpu.memory_space<vmem>>, vector<16xf32>,
        tpu.vector_store %swap3A_502[%swap3A_503], %get3A_494 {add = true, strides = array<i32>} : memref<64xf32, #tpu.memory_space<vmem>>, vector<16xf32>,
        %add3A_505 = arith.constant 4 : i32
        %add3A_506 = arith.addi %mul3A_290, %add3A_505 : i32
        %get3A_507 = arith.index_cast %add3A_506 : i32 to index
        %get3A_508 = arith.constant 0 : index
        %get3A_509 = tpu.vector_load %arg8[%get3A_507, %get3A_508] {strides = array<i32>} : memref<200x64xf32, #tpu.memory_space<vmem>>, vector<16xf32>,
        %swap3A_510 = arith.constant 0 : i32
        %swap3A_511 = arith.constant 0 : i32
        %swap3A_512 = arith.constant 0 : i32
        %swap3A_513 = tpu.memref_slice %arg7[%swap3A_510, %swap3A_511, %swap3A_512] : memref<2x200x64xf32, #tpu.memory_space<vmem>> -> memref<1x200x64xf32, #tpu.memory_space<vmem>>
        %swap3A_514 = tpu.memref_squeeze %swap3A_513 : memref<1x200x64xf32, #tpu.memory_space<vmem>> -> memref<200x64xf32, #tpu.memory_space<vmem>>
        %swap3A_515 = arith.constant 0 : i32
        %swap3A_516 = tpu.memref_slice %swap3A_514[%add3A_506, %swap3A_515] : memref<200x64xf32, #tpu.memory_space<vmem>> -> memref<1x64xf32, #tpu.memory_space<vmem>>
        %swap3A_517 = tpu.memref_squeeze %swap3A_516 : memref<1x64xf32, #tpu.memory_space<vmem>> -> memref<64xf32, #tpu.memory_space<vmem>>
        %swap3A_518 = arith.constant 0 : index
        %swap3A_519 = tpu.vector_load %swap3A_517[%swap3A_518] {strides = array<i32>} : memref<64xf32, #tpu.memory_space<vmem>>, vector<16xf32>,
        tpu.vector_store %swap3A_517[%swap3A_518], %get3A_509 {add = true, strides = array<i32>} : memref<64xf32, #tpu.memory_space<vmem>>, vector<16xf32>,
        %get3A_520 = arith.index_cast %add3A_506 : i32 to index
        %get3A_521 = arith.constant 16 : index
        %get3A_522 = tpu.vector_load %arg8[%get3A_520, %get3A_521] {strides = array<i32>} : memref<200x64xf32, #tpu.memory_space<vmem>>, vector<16xf32>,
        %swap3A_523 = arith.constant 0 : i32
        %swap3A_524 = arith.constant 0 : i32
        %swap3A_525 = arith.constant 0 : i32
        %swap3A_526 = tpu.memref_slice %arg7[%swap3A_523, %swap3A_524, %swap3A_525] : memref<2x200x64xf32, #tpu.memory_space<vmem>> -> memref<1x200x64xf32, #tpu.memory_space<vmem>>
        %swap3A_527 = tpu.memref_squeeze %swap3A_526 : memref<1x200x64xf32, #tpu.memory_space<vmem>> -> memref<200x64xf32, #tpu.memory_space<vmem>>
        %swap3A_528 = arith.constant 0 : i32
        %swap3A_529 = tpu.memref_slice %swap3A_527[%add3A_506, %swap3A_528] : memref<200x64xf32, #tpu.memory_space<vmem>> -> memref<1x64xf32, #tpu.memory_space<vmem>>
        %swap3A_530 = tpu.memref_squeeze %swap3A_529 : memref<1x64xf32, #tpu.memory_space<vmem>> -> memref<64xf32, #tpu.memory_space<vmem>>
        %swap3A_531 = arith.constant 16 : index
        %swap3A_532 = tpu.vector_load %swap3A_530[%swap3A_531] {strides = array<i32>} : memref<64xf32, #tpu.memory_space<vmem>>, vector<16xf32>,
        tpu.vector_store %swap3A_530[%swap3A_531], %get3A_522 {add = true, strides = array<i32>} : memref<64xf32, #tpu.memory_space<vmem>>, vector<16xf32>,
        %get3A_533 = arith.index_cast %add3A_506 : i32 to index
        %get3A_534 = arith.constant 32 : index
        %get3A_535 = tpu.vector_load %arg8[%get3A_533, %get3A_534] {strides = array<i32>} : memref<200x64xf32, #tpu.memory_space<vmem>>, vector<16xf32>,
        %swap3A_536 = arith.constant 0 : i32
        %swap3A_537 = arith.constant 0 : i32
        %swap3A_538 = arith.constant 0 : i32
        %swap3A_539 = tpu.memref_slice %arg7[%swap3A_536, %swap3A_537, %swap3A_538] : memref<2x200x64xf32, #tpu.memory_space<vmem>> -> memref<1x200x64xf32, #tpu.memory_space<vmem>>
        %swap3A_540 = tpu.memref_squeeze %swap3A_539 : memref<1x200x64xf32, #tpu.memory_space<vmem>> -> memref<200x64xf32, #tpu.memory_space<vmem>>
        %swap3A_541 = arith.constant 0 : i32
        %swap3A_542 = tpu.memref_slice %swap3A_540[%add3A_506, %swap3A_541] : memref<200x64xf32, #tpu.memory_space<vmem>> -> memref<1x64xf32, #tpu.memory_space<vmem>>
        %swap3A_543 = tpu.memref_squeeze %swap3A_542 : memref<1x64xf32, #tpu.memory_space<vmem>> -> memref<64xf32, #tpu.memory_space<vmem>>
        %swap3A_544 = arith.constant 32 : index
        %swap3A_545 = tpu.vector_load %swap3A_543[%swap3A_544] {strides = array<i32>} : memref<64xf32, #tpu.memory_space<vmem>>, vector<16xf32>,
        tpu.vector_store %swap3A_543[%swap3A_544], %get3A_535 {add = true, strides = array<i32>} : memref<64xf32, #tpu.memory_space<vmem>>, vector<16xf32>,
        %get3A_546 = arith.index_cast %add3A_506 : i32 to index
        %get3A_547 = arith.constant 48 : index
        %get3A_548 = tpu.vector_load %arg8[%get3A_546, %get3A_547] {strides = array<i32>} : memref<200x64xf32, #tpu.memory_space<vmem>>, vector<16xf32>,
        %swap3A_549 = arith.constant 0 : i32
        %swap3A_550 = arith.constant 0 : i32
        %swap3A_551 = arith.constant 0 : i32
        %swap3A_552 = tpu.memref_slice %arg7[%swap3A_549, %swap3A_550, %swap3A_551] : memref<2x200x64xf32, #tpu.memory_space<vmem>> -> memref<1x200x64xf32, #tpu.memory_space<vmem>>
        %swap3A_553 = tpu.memref_squeeze %swap3A_552 : memref<1x200x64xf32, #tpu.memory_space<vmem>> -> memref<200x64xf32, #tpu.memory_space<vmem>>
        %swap3A_554 = arith.constant 0 : i32
        %swap3A_555 = tpu.memref_slice %swap3A_553[%add3A_506, %swap3A_554] : memref<200x64xf32, #tpu.memory_space<vmem>> -> memref<1x64xf32, #tpu.memory_space<vmem>>
        %swap3A_556 = tpu.memref_squeeze %swap3A_555 : memref<1x64xf32, #tpu.memory_space<vmem>> -> memref<64xf32, #tpu.memory_space<vmem>>
        %swap3A_557 = arith.constant 48 : index
        %swap3A_558 = tpu.vector_load %swap3A_556[%swap3A_557] {strides = array<i32>} : memref<64xf32, #tpu.memory_space<vmem>>, vector<16xf32>,
        tpu.vector_store %swap3A_556[%swap3A_557], %get3A_548 {add = true, strides = array<i32>} : memref<64xf32, #tpu.memory_space<vmem>>, vector<16xf32>,
        %add3A_559 = arith.constant 5 : i32
        %add3A_560 = arith.addi %mul3A_290, %add3A_559 : i32
        %get3A_561 = arith.index_cast %add3A_560 : i32 to index
        %get3A_562 = arith.constant 0 : index
        %get3A_563 = tpu.vector_load %arg8[%get3A_561, %get3A_562] {strides = array<i32>} : memref<200x64xf32, #tpu.memory_space<vmem>>, vector<16xf32>,
        %swap3A_564 = arith.constant 0 : i32
        %swap3A_565 = arith.constant 0 : i32
        %swap3A_566 = arith.constant 0 : i32
        %swap3A_567 = tpu.memref_slice %arg7[%swap3A_564, %swap3A_565, %swap3A_566] : memref<2x200x64xf32, #tpu.memory_space<vmem>> -> memref<1x200x64xf32, #tpu.memory_space<vmem>>
        %swap3A_568 = tpu.memref_squeeze %swap3A_567 : memref<1x200x64xf32, #tpu.memory_space<vmem>> -> memref<200x64xf32, #tpu.memory_space<vmem>>
        %swap3A_569 = arith.constant 0 : i32
        %swap3A_570 = tpu.memref_slice %swap3A_568[%add3A_560, %swap3A_569] : memref<200x64xf32, #tpu.memory_space<vmem>> -> memref<1x64xf32, #tpu.memory_space<vmem>>
        %swap3A_571 = tpu.memref_squeeze %swap3A_570 : memref<1x64xf32, #tpu.memory_space<vmem>> -> memref<64xf32, #tpu.memory_space<vmem>>
        %swap3A_572 = arith.constant 0 : index
        %swap3A_573 = tpu.vector_load %swap3A_571[%swap3A_572] {strides = array<i32>} : memref<64xf32, #tpu.memory_space<vmem>>, vector<16xf32>,
        tpu.vector_store %swap3A_571[%swap3A_572], %get3A_563 {add = true, strides = array<i32>} : memref<64xf32, #tpu.memory_space<vmem>>, vector<16xf32>,
        %get3A_574 = arith.index_cast %add3A_560 : i32 to index
        %get3A_575 = arith.constant 16 : index
        %get3A_576 = tpu.vector_load %arg8[%get3A_574, %get3A_575] {strides = array<i32>} : memref<200x64xf32, #tpu.memory_space<vmem>>, vector<16xf32>,
        %swap3A_577 = arith.constant 0 : i32
        %swap3A_578 = arith.constant 0 : i32
        %swap3A_579 = arith.constant 0 : i32
        %swap3A_580 = tpu.memref_slice %arg7[%swap3A_577, %swap3A_578, %swap3A_579] : memref<2x200x64xf32, #tpu.memory_space<vmem>> -> memref<1x200x64xf32, #tpu.memory_space<vmem>>
        %swap3A_581 = tpu.memref_squeeze %swap3A_580 : memref<1x200x64xf32, #tpu.memory_space<vmem>> -> memref<200x64xf32, #tpu.memory_space<vmem>>
        %swap3A_582 = arith.constant 0 : i32
        %swap3A_583 = tpu.memref_slice %swap3A_581[%add3A_560, %swap3A_582] : memref<200x64xf32, #tpu.memory_space<vmem>> -> memref<1x64xf32, #tpu.memory_space<vmem>>
        %swap3A_584 = tpu.memref_squeeze %swap3A_583 : memref<1x64xf32, #tpu.memory_space<vmem>> -> memref<64xf32, #tpu.memory_space<vmem>>
        %swap3A_585 = arith.constant 16 : index
        %swap3A_586 = tpu.vector_load %swap3A_584[%swap3A_585] {strides = array<i32>} : memref<64xf32, #tpu.memory_space<vmem>>, vector<16xf32>,
        tpu.vector_store %swap3A_584[%swap3A_585], %get3A_576 {add = true, strides = array<i32>} : memref<64xf32, #tpu.memory_space<vmem>>, vector<16xf32>,
        %get3A_587 = arith.index_cast %add3A_560 : i32 to index
        %get3A_588 = arith.constant 32 : index
        %get3A_589 = tpu.vector_load %arg8[%get3A_587, %get3A_588] {strides = array<i32>} : memref<200x64xf32, #tpu.memory_space<vmem>>, vector<16xf32>,
        %swap3A_590 = arith.constant 0 : i32
        %swap3A_591 = arith.constant 0 : i32
        %swap3A_592 = arith.constant 0 : i32
        %swap3A_593 = tpu.memref_slice %arg7[%swap3A_590, %swap3A_591, %swap3A_592] : memref<2x200x64xf32, #tpu.memory_space<vmem>> -> memref<1x200x64xf32, #tpu.memory_space<vmem>>
        %swap3A_594 = tpu.memref_squeeze %swap3A_593 : memref<1x200x64xf32, #tpu.memory_space<vmem>> -> memref<200x64xf32, #tpu.memory_space<vmem>>
        %swap3A_595 = arith.constant 0 : i32
        %swap3A_596 = tpu.memref_slice %swap3A_594[%add3A_560, %swap3A_595] : memref<200x64xf32, #tpu.memory_space<vmem>> -> memref<1x64xf32, #tpu.memory_space<vmem>>
        %swap3A_597 = tpu.memref_squeeze %swap3A_596 : memref<1x64xf32, #tpu.memory_space<vmem>> -> memref<64xf32, #tpu.memory_space<vmem>>
        %swap3A_598 = arith.constant 32 : index
        %swap3A_599 = tpu.vector_load %swap3A_597[%swap3A_598] {strides = array<i32>} : memref<64xf32, #tpu.memory_space<vmem>>, vector<16xf32>,
        tpu.vector_store %swap3A_597[%swap3A_598], %get3A_589 {add = true, strides = array<i32>} : memref<64xf32, #tpu.memory_space<vmem>>, vector<16xf32>,
        %get3A_600 = arith.index_cast %add3A_560 : i32 to index
        %get3A_601 = arith.constant 48 : index
        %get3A_602 = tpu.vector_load %arg8[%get3A_600, %get3A_601] {strides = array<i32>} : memref<200x64xf32, #tpu.memory_space<vmem>>, vector<16xf32>,
        %swap3A_603 = arith.constant 0 : i32
        %swap3A_604 = arith.constant 0 : i32
        %swap3A_605 = arith.constant 0 : i32
        %swap3A_606 = tpu.memref_slice %arg7[%swap3A_603, %swap3A_604, %swap3A_605] : memref<2x200x64xf32, #tpu.memory_space<vmem>> -> memref<1x200x64xf32, #tpu.memory_space<vmem>>
        %swap3A_607 = tpu.memref_squeeze %swap3A_606 : memref<1x200x64xf32, #tpu.memory_space<vmem>> -> memref<200x64xf32, #tpu.memory_space<vmem>>
        %swap3A_608 = arith.constant 0 : i32
        %swap3A_609 = tpu.memref_slice %swap3A_607[%add3A_560, %swap3A_608] : memref<200x64xf32, #tpu.memory_space<vmem>> -> memref<1x64xf32, #tpu.memory_space<vmem>>
        %swap3A_610 = tpu.memref_squeeze %swap3A_609 : memref<1x64xf32, #tpu.memory_space<vmem>> -> memref<64xf32, #tpu.memory_space<vmem>>
        %swap3A_611 = arith.constant 48 : index
        %swap3A_612 = tpu.vector_load %swap3A_610[%swap3A_611] {strides = array<i32>} : memref<64xf32, #tpu.memory_space<vmem>>, vector<16xf32>,
        tpu.vector_store %swap3A_610[%swap3A_611], %get3A_602 {add = true, strides = array<i32>} : memref<64xf32, #tpu.memory_space<vmem>>, vector<16xf32>,
        %add3A_613 = arith.constant 6 : i32
        %add3A_614 = arith.addi %mul3A_290, %add3A_613 : i32
        %get3A_615 = arith.index_cast %add3A_614 : i32 to index
        %get3A_616 = arith.constant 0 : index
        %get3A_617 = tpu.vector_load %arg8[%get3A_615, %get3A_616] {strides = array<i32>} : memref<200x64xf32, #tpu.memory_space<vmem>>, vector<16xf32>,
        %swap3A_618 = arith.constant 0 : i32
        %swap3A_619 = arith.constant 0 : i32
        %swap3A_620 = arith.constant 0 : i32
        %swap3A_621 = tpu.memref_slice %arg7[%swap3A_618, %swap3A_619, %swap3A_620] : memref<2x200x64xf32, #tpu.memory_space<vmem>> -> memref<1x200x64xf32, #tpu.memory_space<vmem>>
        %swap3A_622 = tpu.memref_squeeze %swap3A_621 : memref<1x200x64xf32, #tpu.memory_space<vmem>> -> memref<200x64xf32, #tpu.memory_space<vmem>>
        %swap3A_623 = arith.constant 0 : i32
        %swap3A_624 = tpu.memref_slice %swap3A_622[%add3A_614, %swap3A_623] : memref<200x64xf32, #tpu.memory_space<vmem>> -> memref<1x64xf32, #tpu.memory_space<vmem>>
        %swap3A_625 = tpu.memref_squeeze %swap3A_624 : memref<1x64xf32, #tpu.memory_space<vmem>> -> memref<64xf32, #tpu.memory_space<vmem>>
        %swap3A_626 = arith.constant 0 : index
        %swap3A_627 = tpu.vector_load %swap3A_625[%swap3A_626] {strides = array<i32>} : memref<64xf32, #tpu.memory_space<vmem>>, vector<16xf32>,
        tpu.vector_store %swap3A_625[%swap3A_626], %get3A_617 {add = true, strides = array<i32>} : memref<64xf32, #tpu.memory_space<vmem>>, vector<16xf32>,
        %get3A_628 = arith.index_cast %add3A_614 : i32 to index
        %get3A_629 = arith.constant 16 : index
        %get3A_630 = tpu.vector_load %arg8[%get3A_628, %get3A_629] {strides = array<i32>} : memref<200x64xf32, #tpu.memory_space<vmem>>, vector<16xf32>,
        %swap3A_631 = arith.constant 0 : i32
        %swap3A_632 = arith.constant 0 : i32
        %swap3A_633 = arith.constant 0 : i32
        %swap3A_634 = tpu.memref_slice %arg7[%swap3A_631, %swap3A_632, %swap3A_633] : memref<2x200x64xf32, #tpu.memory_space<vmem>> -> memref<1x200x64xf32, #tpu.memory_space<vmem>>
        %swap3A_635 = tpu.memref_squeeze %swap3A_634 : memref<1x200x64xf32, #tpu.memory_space<vmem>> -> memref<200x64xf32, #tpu.memory_space<vmem>>
        %swap3A_636 = arith.constant 0 : i32
        %swap3A_637 = tpu.memref_slice %swap3A_635[%add3A_614, %swap3A_636] : memref<200x64xf32, #tpu.memory_space<vmem>> -> memref<1x64xf32, #tpu.memory_space<vmem>>
        %swap3A_638 = tpu.memref_squeeze %swap3A_637 : memref<1x64xf32, #tpu.memory_space<vmem>> -> memref<64xf32, #tpu.memory_space<vmem>>
        %swap3A_639 = arith.constant 16 : index
        %swap3A_640 = tpu.vector_load %swap3A_638[%swap3A_639] {strides = array<i32>} : memref<64xf32, #tpu.memory_space<vmem>>, vector<16xf32>,
        tpu.vector_store %swap3A_638[%swap3A_639], %get3A_630 {add = true, strides = array<i32>} : memref<64xf32, #tpu.memory_space<vmem>>, vector<16xf32>,
        %get3A_641 = arith.index_cast %add3A_614 : i32 to index
        %get3A_642 = arith.constant 32 : index
        %get3A_643 = tpu.vector_load %arg8[%get3A_641, %get3A_642] {strides = array<i32>} : memref<200x64xf32, #tpu.memory_space<vmem>>, vector<16xf32>,
        %swap3A_644 = arith.constant 0 : i32
        %swap3A_645 = arith.constant 0 : i32
        %swap3A_646 = arith.constant 0 : i32
        %swap3A_647 = tpu.memref_slice %arg7[%swap3A_644, %swap3A_645, %swap3A_646] : memref<2x200x64xf32, #tpu.memory_space<vmem>> -> memref<1x200x64xf32, #tpu.memory_space<vmem>>
        %swap3A_648 = tpu.memref_squeeze %swap3A_647 : memref<1x200x64xf32, #tpu.memory_space<vmem>> -> memref<200x64xf32, #tpu.memory_space<vmem>>
        %swap3A_649 = arith.constant 0 : i32
        %swap3A_650 = tpu.memref_slice %swap3A_648[%add3A_614, %swap3A_649] : memref<200x64xf32, #tpu.memory_space<vmem>> -> memref<1x64xf32, #tpu.memory_space<vmem>>
        %swap3A_651 = tpu.memref_squeeze %swap3A_650 : memref<1x64xf32, #tpu.memory_space<vmem>> -> memref<64xf32, #tpu.memory_space<vmem>>
        %swap3A_652 = arith.constant 32 : index
        %swap3A_653 = tpu.vector_load %swap3A_651[%swap3A_652] {strides = array<i32>} : memref<64xf32, #tpu.memory_space<vmem>>, vector<16xf32>,
        tpu.vector_store %swap3A_651[%swap3A_652], %get3A_643 {add = true, strides = array<i32>} : memref<64xf32, #tpu.memory_space<vmem>>, vector<16xf32>,
        %get3A_654 = arith.index_cast %add3A_614 : i32 to index
        %get3A_655 = arith.constant 48 : index
        %get3A_656 = tpu.vector_load %arg8[%get3A_654, %get3A_655] {strides = array<i32>} : memref<200x64xf32, #tpu.memory_space<vmem>>, vector<16xf32>,
        %swap3A_657 = arith.constant 0 : i32
        %swap3A_658 = arith.constant 0 : i32
        %swap3A_659 = arith.constant 0 : i32
        %swap3A_660 = tpu.memref_slice %arg7[%swap3A_657, %swap3A_658, %swap3A_659] : memref<2x200x64xf32, #tpu.memory_space<vmem>> -> memref<1x200x64xf32, #tpu.memory_space<vmem>>
        %swap3A_661 = tpu.memref_squeeze %swap3A_660 : memref<1x200x64xf32, #tpu.memory_space<vmem>> -> memref<200x64xf32, #tpu.memory_space<vmem>>
        %swap3A_662 = arith.constant 0 : i32
        %swap3A_663 = tpu.memref_slice %swap3A_661[%add3A_614, %swap3A_662] : memref<200x64xf32, #tpu.memory_space<vmem>> -> memref<1x64xf32, #tpu.memory_space<vmem>>
        %swap3A_664 = tpu.memref_squeeze %swap3A_663 : memref<1x64xf32, #tpu.memory_space<vmem>> -> memref<64xf32, #tpu.memory_space<vmem>>
        %swap3A_665 = arith.constant 48 : index
        %swap3A_666 = tpu.vector_load %swap3A_664[%swap3A_665] {strides = array<i32>} : memref<64xf32, #tpu.memory_space<vmem>>, vector<16xf32>,
        tpu.vector_store %swap3A_664[%swap3A_665], %get3A_656 {add = true, strides = array<i32>} : memref<64xf32, #tpu.memory_space<vmem>>, vector<16xf32>,
        %add3A_667 = arith.constant 7 : i32
        %add3A_668 = arith.addi %mul3A_290, %add3A_667 : i32
        %get3A_669 = arith.index_cast %add3A_668 : i32 to index
        %get3A_670 = arith.constant 0 : index
        %get3A_671 = tpu.vector_load %arg8[%get3A_669, %get3A_670] {strides = array<i32>} : memref<200x64xf32, #tpu.memory_space<vmem>>, vector<16xf32>,
        %swap3A_672 = arith.constant 0 : i32
        %swap3A_673 = arith.constant 0 : i32
        %swap3A_674 = arith.constant 0 : i32
        %swap3A_675 = tpu.memref_slice %arg7[%swap3A_672, %swap3A_673, %swap3A_674] : memref<2x200x64xf32, #tpu.memory_space<vmem>> -> memref<1x200x64xf32, #tpu.memory_space<vmem>>
        %swap3A_676 = tpu.memref_squeeze %swap3A_675 : memref<1x200x64xf32, #tpu.memory_space<vmem>> -> memref<200x64xf32, #tpu.memory_space<vmem>>
        %swap3A_677 = arith.constant 0 : i32
        %swap3A_678 = tpu.memref_slice %swap3A_676[%add3A_668, %swap3A_677] : memref<200x64xf32, #tpu.memory_space<vmem>> -> memref<1x64xf32, #tpu.memory_space<vmem>>
        %swap3A_679 = tpu.memref_squeeze %swap3A_678 : memref<1x64xf32, #tpu.memory_space<vmem>> -> memref<64xf32, #tpu.memory_space<vmem>>
        %swap3A_680 = arith.constant 0 : index
        %swap3A_681 = tpu.vector_load %swap3A_679[%swap3A_680] {strides = array<i32>} : memref<64xf32, #tpu.memory_space<vmem>>, vector<16xf32>,
        tpu.vector_store %swap3A_679[%swap3A_680], %get3A_671 {add = true, strides = array<i32>} : memref<64xf32, #tpu.memory_space<vmem>>, vector<16xf32>,
        %get3A_682 = arith.index_cast %add3A_668 : i32 to index
        %get3A_683 = arith.constant 16 : index
        %get3A_684 = tpu.vector_load %arg8[%get3A_682, %get3A_683] {strides = array<i32>} : memref<200x64xf32, #tpu.memory_space<vmem>>, vector<16xf32>,
        %swap3A_685 = arith.constant 0 : i32
        %swap3A_686 = arith.constant 0 : i32
        %swap3A_687 = arith.constant 0 : i32
        %swap3A_688 = tpu.memref_slice %arg7[%swap3A_685, %swap3A_686, %swap3A_687] : memref<2x200x64xf32, #tpu.memory_space<vmem>> -> memref<1x200x64xf32, #tpu.memory_space<vmem>>
        %swap3A_689 = tpu.memref_squeeze %swap3A_688 : memref<1x200x64xf32, #tpu.memory_space<vmem>> -> memref<200x64xf32, #tpu.memory_space<vmem>>
        %swap3A_690 = arith.constant 0 : i32
        %swap3A_691 = tpu.memref_slice %swap3A_689[%add3A_668, %swap3A_690] : memref<200x64xf32, #tpu.memory_space<vmem>> -> memref<1x64xf32, #tpu.memory_space<vmem>>
        %swap3A_692 = tpu.memref_squeeze %swap3A_691 : memref<1x64xf32, #tpu.memory_space<vmem>> -> memref<64xf32, #tpu.memory_space<vmem>>
        %swap3A_693 = arith.constant 16 : index
        %swap3A_694 = tpu.vector_load %swap3A_692[%swap3A_693] {strides = array<i32>} : memref<64xf32, #tpu.memory_space<vmem>>, vector<16xf32>,
        tpu.vector_store %swap3A_692[%swap3A_693], %get3A_684 {add = true, strides = array<i32>} : memref<64xf32, #tpu.memory_space<vmem>>, vector<16xf32>,
        %get3A_695 = arith.index_cast %add3A_668 : i32 to index
        %get3A_696 = arith.constant 32 : index
        %get3A_697 = tpu.vector_load %arg8[%get3A_695, %get3A_696] {strides = array<i32>} : memref<200x64xf32, #tpu.memory_space<vmem>>, vector<16xf32>,
        %swap3A_698 = arith.constant 0 : i32
        %swap3A_699 = arith.constant 0 : i32
        %swap3A_700 = arith.constant 0 : i32
        %swap3A_701 = tpu.memref_slice %arg7[%swap3A_698, %swap3A_699, %swap3A_700] : memref<2x200x64xf32, #tpu.memory_space<vmem>> -> memref<1x200x64xf32, #tpu.memory_space<vmem>>
        %swap3A_702 = tpu.memref_squeeze %swap3A_701 : memref<1x200x64xf32, #tpu.memory_space<vmem>> -> memref<200x64xf32, #tpu.memory_space<vmem>>
        %swap3A_703 = arith.constant 0 : i32
        %swap3A_704 = tpu.memref_slice %swap3A_702[%add3A_668, %swap3A_703] : memref<200x64xf32, #tpu.memory_space<vmem>> -> memref<1x64xf32, #tpu.memory_space<vmem>>
        %swap3A_705 = tpu.memref_squeeze %swap3A_704 : memref<1x64xf32, #tpu.memory_space<vmem>> -> memref<64xf32, #tpu.memory_space<vmem>>
        %swap3A_706 = arith.constant 32 : index
        %swap3A_707 = tpu.vector_load %swap3A_705[%swap3A_706] {strides = array<i32>} : memref<64xf32, #tpu.memory_space<vmem>>, vector<16xf32>,
        tpu.vector_store %swap3A_705[%swap3A_706], %get3A_697 {add = true, strides = array<i32>} : memref<64xf32, #tpu.memory_space<vmem>>, vector<16xf32>,
        %get3A_708 = arith.index_cast %add3A_668 : i32 to index
        %get3A_709 = arith.constant 48 : index
        %get3A_710 = tpu.vector_load %arg8[%get3A_708, %get3A_709] {strides = array<i32>} : memref<200x64xf32, #tpu.memory_space<vmem>>, vector<16xf32>,
        %swap3A_711 = arith.constant 0 : i32
        %swap3A_712 = arith.constant 0 : i32
        %swap3A_713 = arith.constant 0 : i32
        %swap3A_714 = tpu.memref_slice %arg7[%swap3A_711, %swap3A_712, %swap3A_713] : memref<2x200x64xf32, #tpu.memory_space<vmem>> -> memref<1x200x64xf32, #tpu.memory_space<vmem>>
        %swap3A_715 = tpu.memref_squeeze %swap3A_714 : memref<1x200x64xf32, #tpu.memory_space<vmem>> -> memref<200x64xf32, #tpu.memory_space<vmem>>
        %swap3A_716 = arith.constant 0 : i32
        %swap3A_717 = tpu.memref_slice %swap3A_715[%add3A_668, %swap3A_716] : memref<200x64xf32, #tpu.memory_space<vmem>> -> memref<1x64xf32, #tpu.memory_space<vmem>>
        %swap3A_718 = tpu.memref_squeeze %swap3A_717 : memref<1x64xf32, #tpu.memory_space<vmem>> -> memref<64xf32, #tpu.memory_space<vmem>>
        %swap3A_719 = arith.constant 48 : index
        %swap3A_720 = tpu.vector_load %swap3A_718[%swap3A_719] {strides = array<i32>} : memref<64xf32, #tpu.memory_space<vmem>>, vector<16xf32>,
        tpu.vector_store %swap3A_718[%swap3A_719], %get3A_710 {add = true, strides = array<i32>} : memref<64xf32, #tpu.memory_space<vmem>>, vector<16xf32>,
      }
      %scan3A_183 = arith.constant 25 : i32
      %lt3A = arith.constant 63 : i32
      %lt3A_184 = arith.cmpi slt, %scan3A_133, %lt3A : i32
      %convert_element_type3A_185 = arith.extui %lt3A_184 : i1 to i32
      %cond3A_186 = arith.constant 0 : i32
      %cond3A_187 = arith.cmpi ne, %convert_element_type3A_185, %cond3A_186 : i32
      scf.if %cond3A_187 {
        %add3A_288 = arith.constant 2 : i32
        %add3A_289 = arith.addi %add3A_137, %add3A_288 : i32
        %dma_start3A_290 = arith.constant 0 : i32
        %dma_start3A_291 = arith.constant 0 : i32
        %dma_start3A_292 = arith.constant 0 : i32
        %dma_start3A_293 = arith.constant 0 : i32
        %dma_start3A_294 = tpu.memref_slice %arg7[%dma_start3A_290, %dma_start3A_292, %dma_start3A_293] : memref<2x200x64xf32, #tpu.memory_space<vmem>> -> memref<1x200x64xf32, #tpu.memory_space<vmem>>
        %dma_start3A_295 = tpu.memref_squeeze %dma_start3A_294 : memref<1x200x64xf32, #tpu.memory_space<vmem>> -> memref<200x64xf32, #tpu.memory_space<vmem>>
        %dma_start3A_296 = arith.constant 0 : i32
        %dma_start3A_297 = arith.constant 0 : i32
        %dma_start3A_298 = tpu.memref_slice %dma_start3A_295[%dma_start3A_296, %dma_start3A_297] : memref<200x64xf32, #tpu.memory_space<vmem>> -> memref<104x64xf32, #tpu.memory_space<vmem>>
        %dma_start3A_299 = arith.constant 0 : i32
        %dma_start3A_300 = tpu.memref_slice %arg6[%add3A_289, %dma_start3A_299] : memref<128x200xi32, #tpu.memory_space<vmem>> -> memref<1x200xi32, #tpu.memory_space<vmem>>
        %dma_start3A_301 = tpu.memref_squeeze %dma_start3A_300 : memref<1x200xi32, #tpu.memory_space<vmem>> -> memref<200xi32, #tpu.memory_space<vmem>>
        %dma_start3A_302 = arith.constant 0 : i32
        %dma_start3A_303 = tpu.memref_slice %dma_start3A_301[%dma_start3A_302] : memref<200xi32, #tpu.memory_space<vmem>> -> memref<104xi32, #tpu.memory_space<vmem>>
        %dma_start3A_304 = arith.constant 0 : i32
        %dma_start3A_305 = arith.constant 0 : i32
        %dma_start3A_306 = tpu.memref_slice %arg3[%dma_start3A_304, %dma_start3A_305] : memref<1000000x64xf32, #tpu.memory_space<hbm>> -> memref<1000000x64xf32, #tpu.memory_space<hbm>>
        %dma_start3A_307 = tpu.memref_slice %arg9[%dma_start3A_291] : memref<2x!tpu.dma_semaphore, #tpu.memory_space<semaphore_mem>> -> memref<1x!tpu.dma_semaphore, #tpu.memory_space<semaphore_mem>>
        %dma_start3A_308 = tpu.memref_squeeze %dma_start3A_307 : memref<1x!tpu.dma_semaphore, #tpu.memory_space<semaphore_mem>> -> memref<!tpu.dma_semaphore, #tpu.memory_space<semaphore_mem>>
        tpu.enqueue_indirect_dma source(%dma_start3A_306 : memref<1000000x64xf32, #tpu.memory_space<hbm>>) target(%dma_start3A_298 : memref<104x64xf32, #tpu.memory_space<vmem>>) offsets(%dma_start3A_303 : memref<104xi32, #tpu.memory_space<vmem>>) semaphore(%dma_start3A_308 : memref<!tpu.dma_semaphore, #tpu.memory_space<semaphore_mem>>)
        %dma_start3A_309 = arith.constant 0 : i32
        %dma_start3A_310 = arith.constant 0 : i32
        %dma_start3A_311 = arith.constant 0 : i32
        %dma_start3A_312 = arith.constant 0 : i32
        %dma_start3A_313 = tpu.memref_slice %arg7[%dma_start3A_309, %dma_start3A_311, %dma_start3A_312] : memref<2x200x64xf32, #tpu.memory_space<vmem>> -> memref<1x200x64xf32, #tpu.memory_space<vmem>>
        %dma_start3A_314 = tpu.memref_squeeze %dma_start3A_313 : memref<1x200x64xf32, #tpu.memory_space<vmem>> -> memref<200x64xf32, #tpu.memory_space<vmem>>
        %dma_start3A_315 = arith.constant 104 : i32
        %dma_start3A_316 = arith.constant 0 : i32
        %dma_start3A_317 = tpu.memref_slice %dma_start3A_314[%dma_start3A_315, %dma_start3A_316] : memref<200x64xf32, #tpu.memory_space<vmem>> -> memref<96x64xf32, #tpu.memory_space<vmem>>
        %dma_start3A_318 = arith.constant 0 : i32
        %dma_start3A_319 = tpu.memref_slice %arg6[%add3A_289, %dma_start3A_318] : memref<128x200xi32, #tpu.memory_space<vmem>> -> memref<1x200xi32, #tpu.memory_space<vmem>>
        %dma_start3A_320 = tpu.memref_squeeze %dma_start3A_319 : memref<1x200xi32, #tpu.memory_space<vmem>> -> memref<200xi32, #tpu.memory_space<vmem>>
        %dma_start3A_321 = arith.constant 104 : i32
        %dma_start3A_322 = tpu.memref_slice %dma_start3A_320[%dma_start3A_321] : memref<200xi32, #tpu.memory_space<vmem>> -> memref<96xi32, #tpu.memory_space<vmem>>
        %dma_start3A_323 = arith.constant 0 : i32
        %dma_start3A_324 = arith.constant 0 : i32
        %dma_start3A_325 = tpu.memref_slice %arg3[%dma_start3A_323, %dma_start3A_324] : memref<1000000x64xf32, #tpu.memory_space<hbm>> -> memref<1000000x64xf32, #tpu.memory_space<hbm>>
        %dma_start3A_326 = tpu.memref_slice %arg9[%dma_start3A_310] : memref<2x!tpu.dma_semaphore, #tpu.memory_space<semaphore_mem>> -> memref<1x!tpu.dma_semaphore, #tpu.memory_space<semaphore_mem>>
        %dma_start3A_327 = tpu.memref_squeeze %dma_start3A_326 : memref<1x!tpu.dma_semaphore, #tpu.memory_space<semaphore_mem>> -> memref<!tpu.dma_semaphore, #tpu.memory_space<semaphore_mem>>
        tpu.enqueue_indirect_dma source(%dma_start3A_325 : memref<1000000x64xf32, #tpu.memory_space<hbm>>) target(%dma_start3A_317 : memref<96x64xf32, #tpu.memory_space<vmem>>) offsets(%dma_start3A_322 : memref<96xi32, #tpu.memory_space<vmem>>) semaphore(%dma_start3A_327 : memref<!tpu.dma_semaphore, #tpu.memory_space<semaphore_mem>>)
      } else {
      }
      %add3A_188 = arith.addi %mul3A_2, %add3A_137 : i32
      %dma_start3A_189 = arith.constant 0 : i32
      %dma_start3A_190 = arith.constant 0 : i32
      %dma_start3A_191 = arith.constant 0 : i32
      %dma_start3A_192 = arith.constant 0 : i32
      %dma_start3A_193 = tpu.memref_slice %arg7[%dma_start3A_189, %dma_start3A_191, %dma_start3A_192] : memref<2x200x64xf32, #tpu.memory_space<vmem>> -> memref<1x200x64xf32, #tpu.memory_space<vmem>>
      %dma_start3A_194 = tpu.memref_squeeze %dma_start3A_193 : memref<1x200x64xf32, #tpu.memory_space<vmem>> -> memref<200x64xf32, #tpu.memory_space<vmem>>
      %dma_start3A_195 = arith.constant 0 : i32
      %dma_start3A_196 = arith.constant 0 : i32
      %dma_start3A_197 = tpu.memref_slice %arg5[%add3A_188, %dma_start3A_195, %dma_start3A_196] : memref<4096x200x64xf32, #tpu.memory_space<hbm>> -> memref<1x200x64xf32, #tpu.memory_space<hbm>>
      %dma_start3A_198 = tpu.memref_squeeze %dma_start3A_197 : memref<1x200x64xf32, #tpu.memory_space<hbm>> -> memref<200x64xf32, #tpu.memory_space<hbm>>
      %dma_start3A_199 = tpu.memref_slice %arg10[%dma_start3A_190] : memref<2x!tpu.dma_semaphore, #tpu.memory_space<semaphore_mem>> -> memref<1x!tpu.dma_semaphore, #tpu.memory_space<semaphore_mem>>
      %dma_start3A_200 = tpu.memref_squeeze %dma_start3A_199 : memref<1x!tpu.dma_semaphore, #tpu.memory_space<semaphore_mem>> -> memref<!tpu.dma_semaphore, #tpu.memory_space<semaphore_mem>>
      %dma_start3A_201 = arith.constant 0 : i32
      %dma_start3A_202 = arith.constant 0 : i32
      %dma_start3A_203 = tpu.memref_slice %arg5[%add3A_188, %dma_start3A_201, %dma_start3A_202] : memref<4096x200x64xf32, #tpu.memory_space<hbm>> -> memref<1x200x64xf32, #tpu.memory_space<hbm>>
      %dma_start3A_204 = tpu.memref_squeeze %dma_start3A_203 : memref<1x200x64xf32, #tpu.memory_space<hbm>> -> memref<200x64xf32, #tpu.memory_space<hbm>>
      %dma_start3A_205 = arith.constant 0 : i32
      %dma_start3A_206 = arith.constant 0 : i32
      %dma_start3A_207 = tpu.memref_slice %arg7[%dma_start3A_189, %dma_start3A_205, %dma_start3A_206] : memref<2x200x64xf32, #tpu.memory_space<vmem>> -> memref<1x200x64xf32, #tpu.memory_space<vmem>>
      %dma_start3A_208 = tpu.memref_squeeze %dma_start3A_207 : memref<1x200x64xf32, #tpu.memory_space<vmem>> -> memref<200x64xf32, #tpu.memory_space<vmem>>
      tpu.enqueue_dma source(%dma_start3A_208 : memref<200x64xf32, #tpu.memory_space<vmem>>) target(%dma_start3A_204 : memref<200x64xf32, #tpu.memory_space<hbm>>) target_semaphore(%dma_start3A_200 : memref<!tpu.dma_semaphore, #tpu.memory_space<semaphore_mem>>)
      %mul3A_209 = arith.constant 2 : i32
      %mul3A_210 = arith.muli %mul3A_209, %scan3A_133 : i32
      %add3A_211 = arith.constant 1 : i32
      %add3A_212 = arith.addi %mul3A_210, %add3A_211 : i32
      %dma_wait3A_213 = arith.constant 1 : i32
      %dma_wait3A_214 = arith.constant 1 : i32
      %dma_wait3A_215 = arith.constant 0 : i32
      %dma_wait3A_216 = arith.constant 0 : i32
      %dma_wait3A_217 = tpu.memref_slice %arg7[%dma_wait3A_213, %dma_wait3A_215, %dma_wait3A_216] : memref<2x200x64xf32, #tpu.memory_space<vmem>> -> memref<1x200x64xf32, #tpu.memory_space<vmem>>
      %dma_wait3A_218 = tpu.memref_squeeze %dma_wait3A_217 : memref<1x200x64xf32, #tpu.memory_space<vmem>> -> memref<200x64xf32, #tpu.memory_space<vmem>>
      %dma_wait3A_219 = arith.constant 0 : i32
      %dma_wait3A_220 = arith.constant 0 : i32
      %dma_wait3A_221 = tpu.memref_slice %dma_wait3A_218[%dma_wait3A_219, %dma_wait3A_220] : memref<200x64xf32, #tpu.memory_space<vmem>> -> memref<104x64xf32, #tpu.memory_space<vmem>>
      %dma_wait3A_222 = arith.constant 0 : i32
      %dma_wait3A_223 = tpu.memref_slice %arg6[%add3A_212, %dma_wait3A_222] : memref<128x200xi32, #tpu.memory_space<vmem>> -> memref<1x200xi32, #tpu.memory_space<vmem>>
      %dma_wait3A_224 = tpu.memref_squeeze %dma_wait3A_223 : memref<1x200xi32, #tpu.memory_space<vmem>> -> memref<200xi32, #tpu.memory_space<vmem>>
      %dma_wait3A_225 = arith.constant 0 : i32
      %dma_wait3A_226 = tpu.memref_slice %dma_wait3A_224[%dma_wait3A_225] : memref<200xi32, #tpu.memory_space<vmem>> -> memref<104xi32, #tpu.memory_space<vmem>>
      %dma_wait3A_227 = arith.constant 0 : i32
      %dma_wait3A_228 = arith.constant 0 : i32
      %dma_wait3A_229 = tpu.memref_slice %arg3[%dma_wait3A_227, %dma_wait3A_228] : memref<1000000x64xf32, #tpu.memory_space<hbm>> -> memref<1000000x64xf32, #tpu.memory_space<hbm>>
      %dma_wait3A_230 = tpu.memref_slice %arg9[%dma_wait3A_214] : memref<2x!tpu.dma_semaphore, #tpu.memory_space<semaphore_mem>> -> memref<1x!tpu.dma_semaphore, #tpu.memory_space<semaphore_mem>>
      %dma_wait3A_231 = tpu.memref_squeeze %dma_wait3A_230 : memref<1x!tpu.dma_semaphore, #tpu.memory_space<semaphore_mem>> -> memref<!tpu.dma_semaphore, #tpu.memory_space<semaphore_mem>>
      tpu.wait_indirect_dma semaphore(%dma_wait3A_231 : memref<!tpu.dma_semaphore, #tpu.memory_space<semaphore_mem>>) src(%dma_wait3A_229 : memref<1000000x64xf32, #tpu.memory_space<hbm>>) dst(%dma_wait3A_221 : memref<104x64xf32, #tpu.memory_space<vmem>>)
      %dma_wait3A_232 = arith.constant 1 : i32
      %dma_wait3A_233 = arith.constant 1 : i32
      %dma_wait3A_234 = arith.constant 0 : i32
      %dma_wait3A_235 = arith.constant 0 : i32
      %dma_wait3A_236 = tpu.memref_slice %arg7[%dma_wait3A_232, %dma_wait3A_234, %dma_wait3A_235] : memref<2x200x64xf32, #tpu.memory_space<vmem>> -> memref<1x200x64xf32, #tpu.memory_space<vmem>>
      %dma_wait3A_237 = tpu.memref_squeeze %dma_wait3A_236 : memref<1x200x64xf32, #tpu.memory_space<vmem>> -> memref<200x64xf32, #tpu.memory_space<vmem>>
      %dma_wait3A_238 = arith.constant 104 : i32
      %dma_wait3A_239 = arith.constant 0 : i32
      %dma_wait3A_240 = tpu.memref_slice %dma_wait3A_237[%dma_wait3A_238, %dma_wait3A_239] : memref<200x64xf32, #tpu.memory_space<vmem>> -> memref<96x64xf32, #tpu.memory_space<vmem>>
      %dma_wait3A_241 = arith.constant 0 : i32
      %dma_wait3A_242 = tpu.memref_slice %arg6[%add3A_212, %dma_wait3A_241] : memref<128x200xi32, #tpu.memory_space<vmem>> -> memref<1x200xi32, #tpu.memory_space<vmem>>
      %dma_wait3A_243 = tpu.memref_squeeze %dma_wait3A_242 : memref<1x200xi32, #tpu.memory_space<vmem>> -> memref<200xi32, #tpu.memory_space<vmem>>
      %dma_wait3A_244 = arith.constant 104 : i32
      %dma_wait3A_245 = tpu.memref_slice %dma_wait3A_243[%dma_wait3A_244] : memref<200xi32, #tpu.memory_space<vmem>> -> memref<96xi32, #tpu.memory_space<vmem>>
      %dma_wait3A_246 = arith.constant 0 : i32
      %dma_wait3A_247 = arith.constant 0 : i32
      %dma_wait3A_248 = tpu.memref_slice %arg3[%dma_wait3A_246, %dma_wait3A_247] : memref<1000000x64xf32, #tpu.memory_space<hbm>> -> memref<1000000x64xf32, #tpu.memory_space<hbm>>
      %dma_wait3A_249 = tpu.memref_slice %arg9[%dma_wait3A_233] : memref<2x!tpu.dma_semaphore, #tpu.memory_space<semaphore_mem>> -> memref<1x!tpu.dma_semaphore, #tpu.memory_space<semaphore_mem>>
      %dma_wait3A_250 = tpu.memref_squeeze %dma_wait3A_249 : memref<1x!tpu.dma_semaphore, #tpu.memory_space<semaphore_mem>> -> memref<!tpu.dma_semaphore, #tpu.memory_space<semaphore_mem>>
      tpu.wait_indirect_dma semaphore(%dma_wait3A_250 : memref<!tpu.dma_semaphore, #tpu.memory_space<semaphore_mem>>) src(%dma_wait3A_248 : memref<1000000x64xf32, #tpu.memory_space<hbm>>) dst(%dma_wait3A_240 : memref<96x64xf32, #tpu.memory_space<vmem>>)
      %gt3A_251 = arith.constant 0 : i32
      %gt3A_252 = arith.cmpi sgt, %scan3A_133, %gt3A_251 : i32
      %convert_element_type3A_253 = arith.extui %gt3A_252 : i1 to i32
      %cond3A_254 = arith.constant 0 : i32
      %cond3A_255 = arith.cmpi ne, %convert_element_type3A_253, %cond3A_254 : i32
      scf.if %cond3A_255 {
        %add3A_288 = arith.addi %mul3A_2, %add3A_212 : i32
        %sub3A_289 = arith.constant 2 : i32
        %sub3A_290 = arith.subi %add3A_288, %sub3A_289 : i32
        %dma_wait3A_291 = arith.constant 1 : i32
        %dma_wait3A_292 = arith.constant 1 : i32
        %dma_wait3A_293 = arith.constant 0 : i32
        %dma_wait3A_294 = arith.constant 0 : i32
        %dma_wait3A_295 = tpu.memref_slice %arg7[%dma_wait3A_291, %dma_wait3A_293, %dma_wait3A_294] : memref<2x200x64xf32, #tpu.memory_space<vmem>> -> memref<1x200x64xf32, #tpu.memory_space<vmem>>
        %dma_wait3A_296 = tpu.memref_squeeze %dma_wait3A_295 : memref<1x200x64xf32, #tpu.memory_space<vmem>> -> memref<200x64xf32, #tpu.memory_space<vmem>>
        %dma_wait3A_297 = arith.constant 0 : i32
        %dma_wait3A_298 = arith.constant 0 : i32
        %dma_wait3A_299 = tpu.memref_slice %arg5[%sub3A_290, %dma_wait3A_297, %dma_wait3A_298] : memref<4096x200x64xf32, #tpu.memory_space<hbm>> -> memref<1x200x64xf32, #tpu.memory_space<hbm>>
        %dma_wait3A_300 = tpu.memref_squeeze %dma_wait3A_299 : memref<1x200x64xf32, #tpu.memory_space<hbm>> -> memref<200x64xf32, #tpu.memory_space<hbm>>
        %dma_wait3A_301 = tpu.memref_slice %arg10[%dma_wait3A_292] : memref<2x!tpu.dma_semaphore, #tpu.memory_space<semaphore_mem>> -> memref<1x!tpu.dma_semaphore, #tpu.memory_space<semaphore_mem>>
        %dma_wait3A_302 = tpu.memref_squeeze %dma_wait3A_301 : memref<1x!tpu.dma_semaphore, #tpu.memory_space<semaphore_mem>> -> memref<!tpu.dma_semaphore, #tpu.memory_space<semaphore_mem>>
        %dma_wait3A_303 = arith.constant 0 : i32
        %dma_wait3A_304 = arith.constant 0 : i32
        %dma_wait3A_305 = tpu.memref_slice %arg5[%sub3A_290, %dma_wait3A_303, %dma_wait3A_304] : memref<4096x200x64xf32, #tpu.memory_space<hbm>> -> memref<1x200x64xf32, #tpu.memory_space<hbm>>
        %dma_wait3A_306 = tpu.memref_squeeze %dma_wait3A_305 : memref<1x200x64xf32, #tpu.memory_space<hbm>> -> memref<200x64xf32, #tpu.memory_space<hbm>>
        %dma_wait3A_307 = arith.constant 0 : i32
        %dma_wait3A_308 = arith.constant 0 : i32
        %dma_wait3A_309 = tpu.memref_slice %arg7[%dma_wait3A_291, %dma_wait3A_307, %dma_wait3A_308] : memref<2x200x64xf32, #tpu.memory_space<vmem>> -> memref<1x200x64xf32, #tpu.memory_space<vmem>>
        %dma_wait3A_310 = tpu.memref_squeeze %dma_wait3A_309 : memref<1x200x64xf32, #tpu.memory_space<vmem>> -> memref<200x64xf32, #tpu.memory_space<vmem>>
        tpu.wait_dma2 semaphore(%dma_wait3A_302 : memref<!tpu.dma_semaphore, #tpu.memory_space<semaphore_mem>>) src(%dma_wait3A_310 : memref<200x64xf32, #tpu.memory_space<vmem>>) dst(%dma_wait3A_306 : memref<200x64xf32, #tpu.memory_space<hbm>>)
      } else {
      }
      %scan3A_256 = arith.constant 0 : i32
      %scan3A_257 = arith.constant 0 : i32
      %scan3A_258 = arith.constant 25 : i32
      %scan3A_259 = arith.addi %scan3A_257, %scan3A_258 : i32
      %scan3A_260 = arith.constant 1 : i32
      scf.for %scan3A_288 = %scan3A_257 to %scan3A_259 step %scan3A_260  : i32 {
        %mul3A_289 = arith.constant 8 : i32
        %mul3A_290 = arith.muli %scan3A_288, %mul3A_289 : i32
        %add3A_291 = arith.constant 0 : i32
        %add3A_292 = arith.addi %mul3A_290, %add3A_291 : i32
        %get3A = arith.index_cast %add3A_292 : i32 to index
        %get3A_293 = arith.constant 0 : index
        %get3A_294 = tpu.vector_load %arg8[%get3A, %get3A_293] {strides = array<i32>} : memref<200x64xf32, #tpu.memory_space<vmem>>, vector<16xf32>,
        %swap3A = arith.constant 1 : i32
        %swap3A_295 = arith.constant 0 : i32
        %swap3A_296 = arith.constant 0 : i32
        %swap3A_297 = tpu.memref_slice %arg7[%swap3A, %swap3A_295, %swap3A_296] : memref<2x200x64xf32, #tpu.memory_space<vmem>> -> memref<1x200x64xf32, #tpu.memory_space<vmem>>
        %swap3A_298 = tpu.memref_squeeze %swap3A_297 : memref<1x200x64xf32, #tpu.memory_space<vmem>> -> memref<200x64xf32, #tpu.memory_space<vmem>>
        %swap3A_299 = arith.constant 0 : i32
        %swap3A_300 = tpu.memref_slice %swap3A_298[%add3A_292, %swap3A_299] : memref<200x64xf32, #tpu.memory_space<vmem>> -> memref<1x64xf32, #tpu.memory_space<vmem>>
        %swap3A_301 = tpu.memref_squeeze %swap3A_300 : memref<1x64xf32, #tpu.memory_space<vmem>> -> memref<64xf32, #tpu.memory_space<vmem>>
        %swap3A_302 = arith.constant 0 : index
        %swap3A_303 = tpu.vector_load %swap3A_301[%swap3A_302] {strides = array<i32>} : memref<64xf32, #tpu.memory_space<vmem>>, vector<16xf32>,
        tpu.vector_store %swap3A_301[%swap3A_302], %get3A_294 {add = true, strides = array<i32>} : memref<64xf32, #tpu.memory_space<vmem>>, vector<16xf32>,
        %get3A_304 = arith.index_cast %add3A_292 : i32 to index
        %get3A_305 = arith.constant 16 : index
        %get3A_306 = tpu.vector_load %arg8[%get3A_304, %get3A_305] {strides = array<i32>} : memref<200x64xf32, #tpu.memory_space<vmem>>, vector<16xf32>,
        %swap3A_307 = arith.constant 1 : i32
        %swap3A_308 = arith.constant 0 : i32
        %swap3A_309 = arith.constant 0 : i32
        %swap3A_310 = tpu.memref_slice %arg7[%swap3A_307, %swap3A_308, %swap3A_309] : memref<2x200x64xf32, #tpu.memory_space<vmem>> -> memref<1x200x64xf32, #tpu.memory_space<vmem>>
        %swap3A_311 = tpu.memref_squeeze %swap3A_310 : memref<1x200x64xf32, #tpu.memory_space<vmem>> -> memref<200x64xf32, #tpu.memory_space<vmem>>
        %swap3A_312 = arith.constant 0 : i32
        %swap3A_313 = tpu.memref_slice %swap3A_311[%add3A_292, %swap3A_312] : memref<200x64xf32, #tpu.memory_space<vmem>> -> memref<1x64xf32, #tpu.memory_space<vmem>>
        %swap3A_314 = tpu.memref_squeeze %swap3A_313 : memref<1x64xf32, #tpu.memory_space<vmem>> -> memref<64xf32, #tpu.memory_space<vmem>>
        %swap3A_315 = arith.constant 16 : index
        %swap3A_316 = tpu.vector_load %swap3A_314[%swap3A_315] {strides = array<i32>} : memref<64xf32, #tpu.memory_space<vmem>>, vector<16xf32>,
        tpu.vector_store %swap3A_314[%swap3A_315], %get3A_306 {add = true, strides = array<i32>} : memref<64xf32, #tpu.memory_space<vmem>>, vector<16xf32>,
        %get3A_317 = arith.index_cast %add3A_292 : i32 to index
        %get3A_318 = arith.constant 32 : index
        %get3A_319 = tpu.vector_load %arg8[%get3A_317, %get3A_318] {strides = array<i32>} : memref<200x64xf32, #tpu.memory_space<vmem>>, vector<16xf32>,
        %swap3A_320 = arith.constant 1 : i32
        %swap3A_321 = arith.constant 0 : i32
        %swap3A_322 = arith.constant 0 : i32
        %swap3A_323 = tpu.memref_slice %arg7[%swap3A_320, %swap3A_321, %swap3A_322] : memref<2x200x64xf32, #tpu.memory_space<vmem>> -> memref<1x200x64xf32, #tpu.memory_space<vmem>>
        %swap3A_324 = tpu.memref_squeeze %swap3A_323 : memref<1x200x64xf32, #tpu.memory_space<vmem>> -> memref<200x64xf32, #tpu.memory_space<vmem>>
        %swap3A_325 = arith.constant 0 : i32
        %swap3A_326 = tpu.memref_slice %swap3A_324[%add3A_292, %swap3A_325] : memref<200x64xf32, #tpu.memory_space<vmem>> -> memref<1x64xf32, #tpu.memory_space<vmem>>
        %swap3A_327 = tpu.memref_squeeze %swap3A_326 : memref<1x64xf32, #tpu.memory_space<vmem>> -> memref<64xf32, #tpu.memory_space<vmem>>
        %swap3A_328 = arith.constant 32 : index
        %swap3A_329 = tpu.vector_load %swap3A_327[%swap3A_328] {strides = array<i32>} : memref<64xf32, #tpu.memory_space<vmem>>, vector<16xf32>,
        tpu.vector_store %swap3A_327[%swap3A_328], %get3A_319 {add = true, strides = array<i32>} : memref<64xf32, #tpu.memory_space<vmem>>, vector<16xf32>,
        %get3A_330 = arith.index_cast %add3A_292 : i32 to index
        %get3A_331 = arith.constant 48 : index
        %get3A_332 = tpu.vector_load %arg8[%get3A_330, %get3A_331] {strides = array<i32>} : memref<200x64xf32, #tpu.memory_space<vmem>>, vector<16xf32>,
        %swap3A_333 = arith.constant 1 : i32
        %swap3A_334 = arith.constant 0 : i32
        %swap3A_335 = arith.constant 0 : i32
        %swap3A_336 = tpu.memref_slice %arg7[%swap3A_333, %swap3A_334, %swap3A_335] : memref<2x200x64xf32, #tpu.memory_space<vmem>> -> memref<1x200x64xf32, #tpu.memory_space<vmem>>
        %swap3A_337 = tpu.memref_squeeze %swap3A_336 : memref<1x200x64xf32, #tpu.memory_space<vmem>> -> memref<200x64xf32, #tpu.memory_space<vmem>>
        %swap3A_338 = arith.constant 0 : i32
        %swap3A_339 = tpu.memref_slice %swap3A_337[%add3A_292, %swap3A_338] : memref<200x64xf32, #tpu.memory_space<vmem>> -> memref<1x64xf32, #tpu.memory_space<vmem>>
        %swap3A_340 = tpu.memref_squeeze %swap3A_339 : memref<1x64xf32, #tpu.memory_space<vmem>> -> memref<64xf32, #tpu.memory_space<vmem>>
        %swap3A_341 = arith.constant 48 : index
        %swap3A_342 = tpu.vector_load %swap3A_340[%swap3A_341] {strides = array<i32>} : memref<64xf32, #tpu.memory_space<vmem>>, vector<16xf32>,
        tpu.vector_store %swap3A_340[%swap3A_341], %get3A_332 {add = true, strides = array<i32>} : memref<64xf32, #tpu.memory_space<vmem>>, vector<16xf32>,
        %add3A_343 = arith.constant 1 : i32
        %add3A_344 = arith.addi %mul3A_290, %add3A_343 : i32
        %get3A_345 = arith.index_cast %add3A_344 : i32 to index
        %get3A_346 = arith.constant 0 : index
        %get3A_347 = tpu.vector_load %arg8[%get3A_345, %get3A_346] {strides = array<i32>} : memref<200x64xf32, #tpu.memory_space<vmem>>, vector<16xf32>,
        %swap3A_348 = arith.constant 1 : i32
        %swap3A_349 = arith.constant 0 : i32
        %swap3A_350 = arith.constant 0 : i32
        %swap3A_351 = tpu.memref_slice %arg7[%swap3A_348, %swap3A_349, %swap3A_350] : memref<2x200x64xf32, #tpu.memory_space<vmem>> -> memref<1x200x64xf32, #tpu.memory_space<vmem>>
        %swap3A_352 = tpu.memref_squeeze %swap3A_351 : memref<1x200x64xf32, #tpu.memory_space<vmem>> -> memref<200x64xf32, #tpu.memory_space<vmem>>
        %swap3A_353 = arith.constant 0 : i32
        %swap3A_354 = tpu.memref_slice %swap3A_352[%add3A_344, %swap3A_353] : memref<200x64xf32, #tpu.memory_space<vmem>> -> memref<1x64xf32, #tpu.memory_space<vmem>>
        %swap3A_355 = tpu.memref_squeeze %swap3A_354 : memref<1x64xf32, #tpu.memory_space<vmem>> -> memref<64xf32, #tpu.memory_space<vmem>>
        %swap3A_356 = arith.constant 0 : index
        %swap3A_357 = tpu.vector_load %swap3A_355[%swap3A_356] {strides = array<i32>} : memref<64xf32, #tpu.memory_space<vmem>>, vector<16xf32>,
        tpu.vector_store %swap3A_355[%swap3A_356], %get3A_347 {add = true, strides = array<i32>} : memref<64xf32, #tpu.memory_space<vmem>>, vector<16xf32>,
        %get3A_358 = arith.index_cast %add3A_344 : i32 to index
        %get3A_359 = arith.constant 16 : index
        %get3A_360 = tpu.vector_load %arg8[%get3A_358, %get3A_359] {strides = array<i32>} : memref<200x64xf32, #tpu.memory_space<vmem>>, vector<16xf32>,
        %swap3A_361 = arith.constant 1 : i32
        %swap3A_362 = arith.constant 0 : i32
        %swap3A_363 = arith.constant 0 : i32
        %swap3A_364 = tpu.memref_slice %arg7[%swap3A_361, %swap3A_362, %swap3A_363] : memref<2x200x64xf32, #tpu.memory_space<vmem>> -> memref<1x200x64xf32, #tpu.memory_space<vmem>>
        %swap3A_365 = tpu.memref_squeeze %swap3A_364 : memref<1x200x64xf32, #tpu.memory_space<vmem>> -> memref<200x64xf32, #tpu.memory_space<vmem>>
        %swap3A_366 = arith.constant 0 : i32
        %swap3A_367 = tpu.memref_slice %swap3A_365[%add3A_344, %swap3A_366] : memref<200x64xf32, #tpu.memory_space<vmem>> -> memref<1x64xf32, #tpu.memory_space<vmem>>
        %swap3A_368 = tpu.memref_squeeze %swap3A_367 : memref<1x64xf32, #tpu.memory_space<vmem>> -> memref<64xf32, #tpu.memory_space<vmem>>
        %swap3A_369 = arith.constant 16 : index
        %swap3A_370 = tpu.vector_load %swap3A_368[%swap3A_369] {strides = array<i32>} : memref<64xf32, #tpu.memory_space<vmem>>, vector<16xf32>,
        tpu.vector_store %swap3A_368[%swap3A_369], %get3A_360 {add = true, strides = array<i32>} : memref<64xf32, #tpu.memory_space<vmem>>, vector<16xf32>,
        %get3A_371 = arith.index_cast %add3A_344 : i32 to index
        %get3A_372 = arith.constant 32 : index
        %get3A_373 = tpu.vector_load %arg8[%get3A_371, %get3A_372] {strides = array<i32>} : memref<200x64xf32, #tpu.memory_space<vmem>>, vector<16xf32>,
        %swap3A_374 = arith.constant 1 : i32
        %swap3A_375 = arith.constant 0 : i32
        %swap3A_376 = arith.constant 0 : i32
        %swap3A_377 = tpu.memref_slice %arg7[%swap3A_374, %swap3A_375, %swap3A_376] : memref<2x200x64xf32, #tpu.memory_space<vmem>> -> memref<1x200x64xf32, #tpu.memory_space<vmem>>
        %swap3A_378 = tpu.memref_squeeze %swap3A_377 : memref<1x200x64xf32, #tpu.memory_space<vmem>> -> memref<200x64xf32, #tpu.memory_space<vmem>>
        %swap3A_379 = arith.constant 0 : i32
        %swap3A_380 = tpu.memref_slice %swap3A_378[%add3A_344, %swap3A_379] : memref<200x64xf32, #tpu.memory_space<vmem>> -> memref<1x64xf32, #tpu.memory_space<vmem>>
        %swap3A_381 = tpu.memref_squeeze %swap3A_380 : memref<1x64xf32, #tpu.memory_space<vmem>> -> memref<64xf32, #tpu.memory_space<vmem>>
        %swap3A_382 = arith.constant 32 : index
        %swap3A_383 = tpu.vector_load %swap3A_381[%swap3A_382] {strides = array<i32>} : memref<64xf32, #tpu.memory_space<vmem>>, vector<16xf32>,
        tpu.vector_store %swap3A_381[%swap3A_382], %get3A_373 {add = true, strides = array<i32>} : memref<64xf32, #tpu.memory_space<vmem>>, vector<16xf32>,
        %get3A_384 = arith.index_cast %add3A_344 : i32 to index
        %get3A_385 = arith.constant 48 : index
        %get3A_386 = tpu.vector_load %arg8[%get3A_384, %get3A_385] {strides = array<i32>} : memref<200x64xf32, #tpu.memory_space<vmem>>, vector<16xf32>,
        %swap3A_387 = arith.constant 1 : i32
        %swap3A_388 = arith.constant 0 : i32
        %swap3A_389 = arith.constant 0 : i32
        %swap3A_390 = tpu.memref_slice %arg7[%swap3A_387, %swap3A_388, %swap3A_389] : memref<2x200x64xf32, #tpu.memory_space<vmem>> -> memref<1x200x64xf32, #tpu.memory_space<vmem>>
        %swap3A_391 = tpu.memref_squeeze %swap3A_390 : memref<1x200x64xf32, #tpu.memory_space<vmem>> -> memref<200x64xf32, #tpu.memory_space<vmem>>
        %swap3A_392 = arith.constant 0 : i32
        %swap3A_393 = tpu.memref_slice %swap3A_391[%add3A_344, %swap3A_392] : memref<200x64xf32, #tpu.memory_space<vmem>> -> memref<1x64xf32, #tpu.memory_space<vmem>>
        %swap3A_394 = tpu.memref_squeeze %swap3A_393 : memref<1x64xf32, #tpu.memory_space<vmem>> -> memref<64xf32, #tpu.memory_space<vmem>>
        %swap3A_395 = arith.constant 48 : index
        %swap3A_396 = tpu.vector_load %swap3A_394[%swap3A_395] {strides = array<i32>} : memref<64xf32, #tpu.memory_space<vmem>>, vector<16xf32>,
        tpu.vector_store %swap3A_394[%swap3A_395], %get3A_386 {add = true, strides = array<i32>} : memref<64xf32, #tpu.memory_space<vmem>>, vector<16xf32>,
        %add3A_397 = arith.constant 2 : i32
        %add3A_398 = arith.addi %mul3A_290, %add3A_397 : i32
        %get3A_399 = arith.index_cast %add3A_398 : i32 to index
        %get3A_400 = arith.constant 0 : index
        %get3A_401 = tpu.vector_load %arg8[%get3A_399, %get3A_400] {strides = array<i32>} : memref<200x64xf32, #tpu.memory_space<vmem>>, vector<16xf32>,
        %swap3A_402 = arith.constant 1 : i32
        %swap3A_403 = arith.constant 0 : i32
        %swap3A_404 = arith.constant 0 : i32
        %swap3A_405 = tpu.memref_slice %arg7[%swap3A_402, %swap3A_403, %swap3A_404] : memref<2x200x64xf32, #tpu.memory_space<vmem>> -> memref<1x200x64xf32, #tpu.memory_space<vmem>>
        %swap3A_406 = tpu.memref_squeeze %swap3A_405 : memref<1x200x64xf32, #tpu.memory_space<vmem>> -> memref<200x64xf32, #tpu.memory_space<vmem>>
        %swap3A_407 = arith.constant 0 : i32
        %swap3A_408 = tpu.memref_slice %swap3A_406[%add3A_398, %swap3A_407] : memref<200x64xf32, #tpu.memory_space<vmem>> -> memref<1x64xf32, #tpu.memory_space<vmem>>
        %swap3A_409 = tpu.memref_squeeze %swap3A_408 : memref<1x64xf32, #tpu.memory_space<vmem>> -> memref<64xf32, #tpu.memory_space<vmem>>
        %swap3A_410 = arith.constant 0 : index
        %swap3A_411 = tpu.vector_load %swap3A_409[%swap3A_410] {strides = array<i32>} : memref<64xf32, #tpu.memory_space<vmem>>, vector<16xf32>,
        tpu.vector_store %swap3A_409[%swap3A_410], %get3A_401 {add = true, strides = array<i32>} : memref<64xf32, #tpu.memory_space<vmem>>, vector<16xf32>,
        %get3A_412 = arith.index_cast %add3A_398 : i32 to index
        %get3A_413 = arith.constant 16 : index
        %get3A_414 = tpu.vector_load %arg8[%get3A_412, %get3A_413] {strides = array<i32>} : memref<200x64xf32, #tpu.memory_space<vmem>>, vector<16xf32>,
        %swap3A_415 = arith.constant 1 : i32
        %swap3A_416 = arith.constant 0 : i32
        %swap3A_417 = arith.constant 0 : i32
        %swap3A_418 = tpu.memref_slice %arg7[%swap3A_415, %swap3A_416, %swap3A_417] : memref<2x200x64xf32, #tpu.memory_space<vmem>> -> memref<1x200x64xf32, #tpu.memory_space<vmem>>
        %swap3A_419 = tpu.memref_squeeze %swap3A_418 : memref<1x200x64xf32, #tpu.memory_space<vmem>> -> memref<200x64xf32, #tpu.memory_space<vmem>>
        %swap3A_420 = arith.constant 0 : i32
        %swap3A_421 = tpu.memref_slice %swap3A_419[%add3A_398, %swap3A_420] : memref<200x64xf32, #tpu.memory_space<vmem>> -> memref<1x64xf32, #tpu.memory_space<vmem>>
        %swap3A_422 = tpu.memref_squeeze %swap3A_421 : memref<1x64xf32, #tpu.memory_space<vmem>> -> memref<64xf32, #tpu.memory_space<vmem>>
        %swap3A_423 = arith.constant 16 : index
        %swap3A_424 = tpu.vector_load %swap3A_422[%swap3A_423] {strides = array<i32>} : memref<64xf32, #tpu.memory_space<vmem>>, vector<16xf32>,
        tpu.vector_store %swap3A_422[%swap3A_423], %get3A_414 {add = true, strides = array<i32>} : memref<64xf32, #tpu.memory_space<vmem>>, vector<16xf32>,
        %get3A_425 = arith.index_cast %add3A_398 : i32 to index
        %get3A_426 = arith.constant 32 : index
        %get3A_427 = tpu.vector_load %arg8[%get3A_425, %get3A_426] {strides = array<i32>} : memref<200x64xf32, #tpu.memory_space<vmem>>, vector<16xf32>,
        %swap3A_428 = arith.constant 1 : i32
        %swap3A_429 = arith.constant 0 : i32
        %swap3A_430 = arith.constant 0 : i32
        %swap3A_431 = tpu.memref_slice %arg7[%swap3A_428, %swap3A_429, %swap3A_430] : memref<2x200x64xf32, #tpu.memory_space<vmem>> -> memref<1x200x64xf32, #tpu.memory_space<vmem>>
        %swap3A_432 = tpu.memref_squeeze %swap3A_431 : memref<1x200x64xf32, #tpu.memory_space<vmem>> -> memref<200x64xf32, #tpu.memory_space<vmem>>
        %swap3A_433 = arith.constant 0 : i32
        %swap3A_434 = tpu.memref_slice %swap3A_432[%add3A_398, %swap3A_433] : memref<200x64xf32, #tpu.memory_space<vmem>> -> memref<1x64xf32, #tpu.memory_space<vmem>>
        %swap3A_435 = tpu.memref_squeeze %swap3A_434 : memref<1x64xf32, #tpu.memory_space<vmem>> -> memref<64xf32, #tpu.memory_space<vmem>>
        %swap3A_436 = arith.constant 32 : index
        %swap3A_437 = tpu.vector_load %swap3A_435[%swap3A_436] {strides = array<i32>} : memref<64xf32, #tpu.memory_space<vmem>>, vector<16xf32>,
        tpu.vector_store %swap3A_435[%swap3A_436], %get3A_427 {add = true, strides = array<i32>} : memref<64xf32, #tpu.memory_space<vmem>>, vector<16xf32>,
        %get3A_438 = arith.index_cast %add3A_398 : i32 to index
        %get3A_439 = arith.constant 48 : index
        %get3A_440 = tpu.vector_load %arg8[%get3A_438, %get3A_439] {strides = array<i32>} : memref<200x64xf32, #tpu.memory_space<vmem>>, vector<16xf32>,
        %swap3A_441 = arith.constant 1 : i32
        %swap3A_442 = arith.constant 0 : i32
        %swap3A_443 = arith.constant 0 : i32
        %swap3A_444 = tpu.memref_slice %arg7[%swap3A_441, %swap3A_442, %swap3A_443] : memref<2x200x64xf32, #tpu.memory_space<vmem>> -> memref<1x200x64xf32, #tpu.memory_space<vmem>>
        %swap3A_445 = tpu.memref_squeeze %swap3A_444 : memref<1x200x64xf32, #tpu.memory_space<vmem>> -> memref<200x64xf32, #tpu.memory_space<vmem>>
        %swap3A_446 = arith.constant 0 : i32
        %swap3A_447 = tpu.memref_slice %swap3A_445[%add3A_398, %swap3A_446] : memref<200x64xf32, #tpu.memory_space<vmem>> -> memref<1x64xf32, #tpu.memory_space<vmem>>
        %swap3A_448 = tpu.memref_squeeze %swap3A_447 : memref<1x64xf32, #tpu.memory_space<vmem>> -> memref<64xf32, #tpu.memory_space<vmem>>
        %swap3A_449 = arith.constant 48 : index
        %swap3A_450 = tpu.vector_load %swap3A_448[%swap3A_449] {strides = array<i32>} : memref<64xf32, #tpu.memory_space<vmem>>, vector<16xf32>,
        tpu.vector_store %swap3A_448[%swap3A_449], %get3A_440 {add = true, strides = array<i32>} : memref<64xf32, #tpu.memory_space<vmem>>, vector<16xf32>,
        %add3A_451 = arith.constant 3 : i32
        %add3A_452 = arith.addi %mul3A_290, %add3A_451 : i32
        %get3A_453 = arith.index_cast %add3A_452 : i32 to index
        %get3A_454 = arith.constant 0 : index
        %get3A_455 = tpu.vector_load %arg8[%get3A_453, %get3A_454] {strides = array<i32>} : memref<200x64xf32, #tpu.memory_space<vmem>>, vector<16xf32>,
        %swap3A_456 = arith.constant 1 : i32
        %swap3A_457 = arith.constant 0 : i32
        %swap3A_458 = arith.constant 0 : i32
        %swap3A_459 = tpu.memref_slice %arg7[%swap3A_456, %swap3A_457, %swap3A_458] : memref<2x200x64xf32, #tpu.memory_space<vmem>> -> memref<1x200x64xf32, #tpu.memory_space<vmem>>
        %swap3A_460 = tpu.memref_squeeze %swap3A_459 : memref<1x200x64xf32, #tpu.memory_space<vmem>> -> memref<200x64xf32, #tpu.memory_space<vmem>>
        %swap3A_461 = arith.constant 0 : i32
        %swap3A_462 = tpu.memref_slice %swap3A_460[%add3A_452, %swap3A_461] : memref<200x64xf32, #tpu.memory_space<vmem>> -> memref<1x64xf32, #tpu.memory_space<vmem>>
        %swap3A_463 = tpu.memref_squeeze %swap3A_462 : memref<1x64xf32, #tpu.memory_space<vmem>> -> memref<64xf32, #tpu.memory_space<vmem>>
        %swap3A_464 = arith.constant 0 : index
        %swap3A_465 = tpu.vector_load %swap3A_463[%swap3A_464] {strides = array<i32>} : memref<64xf32, #tpu.memory_space<vmem>>, vector<16xf32>,
        tpu.vector_store %swap3A_463[%swap3A_464], %get3A_455 {add = true, strides = array<i32>} : memref<64xf32, #tpu.memory_space<vmem>>, vector<16xf32>,
        %get3A_466 = arith.index_cast %add3A_452 : i32 to index
        %get3A_467 = arith.constant 16 : index
        %get3A_468 = tpu.vector_load %arg8[%get3A_466, %get3A_467] {strides = array<i32>} : memref<200x64xf32, #tpu.memory_space<vmem>>, vector<16xf32>,
        %swap3A_469 = arith.constant 1 : i32
        %swap3A_470 = arith.constant 0 : i32
        %swap3A_471 = arith.constant 0 : i32
        %swap3A_472 = tpu.memref_slice %arg7[%swap3A_469, %swap3A_470, %swap3A_471] : memref<2x200x64xf32, #tpu.memory_space<vmem>> -> memref<1x200x64xf32, #tpu.memory_space<vmem>>
        %swap3A_473 = tpu.memref_squeeze %swap3A_472 : memref<1x200x64xf32, #tpu.memory_space<vmem>> -> memref<200x64xf32, #tpu.memory_space<vmem>>
        %swap3A_474 = arith.constant 0 : i32
        %swap3A_475 = tpu.memref_slice %swap3A_473[%add3A_452, %swap3A_474] : memref<200x64xf32, #tpu.memory_space<vmem>> -> memref<1x64xf32, #tpu.memory_space<vmem>>
        %swap3A_476 = tpu.memref_squeeze %swap3A_475 : memref<1x64xf32, #tpu.memory_space<vmem>> -> memref<64xf32, #tpu.memory_space<vmem>>
        %swap3A_477 = arith.constant 16 : index
        %swap3A_478 = tpu.vector_load %swap3A_476[%swap3A_477] {strides = array<i32>} : memref<64xf32, #tpu.memory_space<vmem>>, vector<16xf32>,
        tpu.vector_store %swap3A_476[%swap3A_477], %get3A_468 {add = true, strides = array<i32>} : memref<64xf32, #tpu.memory_space<vmem>>, vector<16xf32>,
        %get3A_479 = arith.index_cast %add3A_452 : i32 to index
        %get3A_480 = arith.constant 32 : index
        %get3A_481 = tpu.vector_load %arg8[%get3A_479, %get3A_480] {strides = array<i32>} : memref<200x64xf32, #tpu.memory_space<vmem>>, vector<16xf32>,
        %swap3A_482 = arith.constant 1 : i32
        %swap3A_483 = arith.constant 0 : i32
        %swap3A_484 = arith.constant 0 : i32
        %swap3A_485 = tpu.memref_slice %arg7[%swap3A_482, %swap3A_483, %swap3A_484] : memref<2x200x64xf32, #tpu.memory_space<vmem>> -> memref<1x200x64xf32, #tpu.memory_space<vmem>>
        %swap3A_486 = tpu.memref_squeeze %swap3A_485 : memref<1x200x64xf32, #tpu.memory_space<vmem>> -> memref<200x64xf32, #tpu.memory_space<vmem>>
        %swap3A_487 = arith.constant 0 : i32
        %swap3A_488 = tpu.memref_slice %swap3A_486[%add3A_452, %swap3A_487] : memref<200x64xf32, #tpu.memory_space<vmem>> -> memref<1x64xf32, #tpu.memory_space<vmem>>
        %swap3A_489 = tpu.memref_squeeze %swap3A_488 : memref<1x64xf32, #tpu.memory_space<vmem>> -> memref<64xf32, #tpu.memory_space<vmem>>
        %swap3A_490 = arith.constant 32 : index
        %swap3A_491 = tpu.vector_load %swap3A_489[%swap3A_490] {strides = array<i32>} : memref<64xf32, #tpu.memory_space<vmem>>, vector<16xf32>,
        tpu.vector_store %swap3A_489[%swap3A_490], %get3A_481 {add = true, strides = array<i32>} : memref<64xf32, #tpu.memory_space<vmem>>, vector<16xf32>,
        %get3A_492 = arith.index_cast %add3A_452 : i32 to index
        %get3A_493 = arith.constant 48 : index
        %get3A_494 = tpu.vector_load %arg8[%get3A_492, %get3A_493] {strides = array<i32>} : memref<200x64xf32, #tpu.memory_space<vmem>>, vector<16xf32>,
        %swap3A_495 = arith.constant 1 : i32
        %swap3A_496 = arith.constant 0 : i32
        %swap3A_497 = arith.constant 0 : i32
        %swap3A_498 = tpu.memref_slice %arg7[%swap3A_495, %swap3A_496, %swap3A_497] : memref<2x200x64xf32, #tpu.memory_space<vmem>> -> memref<1x200x64xf32, #tpu.memory_space<vmem>>
        %swap3A_499 = tpu.memref_squeeze %swap3A_498 : memref<1x200x64xf32, #tpu.memory_space<vmem>> -> memref<200x64xf32, #tpu.memory_space<vmem>>
        %swap3A_500 = arith.constant 0 : i32
        %swap3A_501 = tpu.memref_slice %swap3A_499[%add3A_452, %swap3A_500] : memref<200x64xf32, #tpu.memory_space<vmem>> -> memref<1x64xf32, #tpu.memory_space<vmem>>
        %swap3A_502 = tpu.memref_squeeze %swap3A_501 : memref<1x64xf32, #tpu.memory_space<vmem>> -> memref<64xf32, #tpu.memory_space<vmem>>
        %swap3A_503 = arith.constant 48 : index
        %swap3A_504 = tpu.vector_load %swap3A_502[%swap3A_503] {strides = array<i32>} : memref<64xf32, #tpu.memory_space<vmem>>, vector<16xf32>,
        tpu.vector_store %swap3A_502[%swap3A_503], %get3A_494 {add = true, strides = array<i32>} : memref<64xf32, #tpu.memory_space<vmem>>, vector<16xf32>,
        %add3A_505 = arith.constant 4 : i32
        %add3A_506 = arith.addi %mul3A_290, %add3A_505 : i32
        %get3A_507 = arith.index_cast %add3A_506 : i32 to index
        %get3A_508 = arith.constant 0 : index
        %get3A_509 = tpu.vector_load %arg8[%get3A_507, %get3A_508] {strides = array<i32>} : memref<200x64xf32, #tpu.memory_space<vmem>>, vector<16xf32>,
        %swap3A_510 = arith.constant 1 : i32
        %swap3A_511 = arith.constant 0 : i32
        %swap3A_512 = arith.constant 0 : i32
        %swap3A_513 = tpu.memref_slice %arg7[%swap3A_510, %swap3A_511, %swap3A_512] : memref<2x200x64xf32, #tpu.memory_space<vmem>> -> memref<1x200x64xf32, #tpu.memory_space<vmem>>
        %swap3A_514 = tpu.memref_squeeze %swap3A_513 : memref<1x200x64xf32, #tpu.memory_space<vmem>> -> memref<200x64xf32, #tpu.memory_space<vmem>>
        %swap3A_515 = arith.constant 0 : i32
        %swap3A_516 = tpu.memref_slice %swap3A_514[%add3A_506, %swap3A_515] : memref<200x64xf32, #tpu.memory_space<vmem>> -> memref<1x64xf32, #tpu.memory_space<vmem>>
        %swap3A_517 = tpu.memref_squeeze %swap3A_516 : memref<1x64xf32, #tpu.memory_space<vmem>> -> memref<64xf32, #tpu.memory_space<vmem>>
        %swap3A_518 = arith.constant 0 : index
        %swap3A_519 = tpu.vector_load %swap3A_517[%swap3A_518] {strides = array<i32>} : memref<64xf32, #tpu.memory_space<vmem>>, vector<16xf32>,
        tpu.vector_store %swap3A_517[%swap3A_518], %get3A_509 {add = true, strides = array<i32>} : memref<64xf32, #tpu.memory_space<vmem>>, vector<16xf32>,
        %get3A_520 = arith.index_cast %add3A_506 : i32 to index
        %get3A_521 = arith.constant 16 : index
        %get3A_522 = tpu.vector_load %arg8[%get3A_520, %get3A_521] {strides = array<i32>} : memref<200x64xf32, #tpu.memory_space<vmem>>, vector<16xf32>,
        %swap3A_523 = arith.constant 1 : i32
        %swap3A_524 = arith.constant 0 : i32
        %swap3A_525 = arith.constant 0 : i32
        %swap3A_526 = tpu.memref_slice %arg7[%swap3A_523, %swap3A_524, %swap3A_525] : memref<2x200x64xf32, #tpu.memory_space<vmem>> -> memref<1x200x64xf32, #tpu.memory_space<vmem>>
        %swap3A_527 = tpu.memref_squeeze %swap3A_526 : memref<1x200x64xf32, #tpu.memory_space<vmem>> -> memref<200x64xf32, #tpu.memory_space<vmem>>
        %swap3A_528 = arith.constant 0 : i32
        %swap3A_529 = tpu.memref_slice %swap3A_527[%add3A_506, %swap3A_528] : memref<200x64xf32, #tpu.memory_space<vmem>> -> memref<1x64xf32, #tpu.memory_space<vmem>>
        %swap3A_530 = tpu.memref_squeeze %swap3A_529 : memref<1x64xf32, #tpu.memory_space<vmem>> -> memref<64xf32, #tpu.memory_space<vmem>>
        %swap3A_531 = arith.constant 16 : index
        %swap3A_532 = tpu.vector_load %swap3A_530[%swap3A_531] {strides = array<i32>} : memref<64xf32, #tpu.memory_space<vmem>>, vector<16xf32>,
        tpu.vector_store %swap3A_530[%swap3A_531], %get3A_522 {add = true, strides = array<i32>} : memref<64xf32, #tpu.memory_space<vmem>>, vector<16xf32>,
        %get3A_533 = arith.index_cast %add3A_506 : i32 to index
        %get3A_534 = arith.constant 32 : index
        %get3A_535 = tpu.vector_load %arg8[%get3A_533, %get3A_534] {strides = array<i32>} : memref<200x64xf32, #tpu.memory_space<vmem>>, vector<16xf32>,
        %swap3A_536 = arith.constant 1 : i32
        %swap3A_537 = arith.constant 0 : i32
        %swap3A_538 = arith.constant 0 : i32
        %swap3A_539 = tpu.memref_slice %arg7[%swap3A_536, %swap3A_537, %swap3A_538] : memref<2x200x64xf32, #tpu.memory_space<vmem>> -> memref<1x200x64xf32, #tpu.memory_space<vmem>>
        %swap3A_540 = tpu.memref_squeeze %swap3A_539 : memref<1x200x64xf32, #tpu.memory_space<vmem>> -> memref<200x64xf32, #tpu.memory_space<vmem>>
        %swap3A_541 = arith.constant 0 : i32
        %swap3A_542 = tpu.memref_slice %swap3A_540[%add3A_506, %swap3A_541] : memref<200x64xf32, #tpu.memory_space<vmem>> -> memref<1x64xf32, #tpu.memory_space<vmem>>
        %swap3A_543 = tpu.memref_squeeze %swap3A_542 : memref<1x64xf32, #tpu.memory_space<vmem>> -> memref<64xf32, #tpu.memory_space<vmem>>
        %swap3A_544 = arith.constant 32 : index
        %swap3A_545 = tpu.vector_load %swap3A_543[%swap3A_544] {strides = array<i32>} : memref<64xf32, #tpu.memory_space<vmem>>, vector<16xf32>,
        tpu.vector_store %swap3A_543[%swap3A_544], %get3A_535 {add = true, strides = array<i32>} : memref<64xf32, #tpu.memory_space<vmem>>, vector<16xf32>,
        %get3A_546 = arith.index_cast %add3A_506 : i32 to index
        %get3A_547 = arith.constant 48 : index
        %get3A_548 = tpu.vector_load %arg8[%get3A_546, %get3A_547] {strides = array<i32>} : memref<200x64xf32, #tpu.memory_space<vmem>>, vector<16xf32>,
        %swap3A_549 = arith.constant 1 : i32
        %swap3A_550 = arith.constant 0 : i32
        %swap3A_551 = arith.constant 0 : i32
        %swap3A_552 = tpu.memref_slice %arg7[%swap3A_549, %swap3A_550, %swap3A_551] : memref<2x200x64xf32, #tpu.memory_space<vmem>> -> memref<1x200x64xf32, #tpu.memory_space<vmem>>
        %swap3A_553 = tpu.memref_squeeze %swap3A_552 : memref<1x200x64xf32, #tpu.memory_space<vmem>> -> memref<200x64xf32, #tpu.memory_space<vmem>>
        %swap3A_554 = arith.constant 0 : i32
        %swap3A_555 = tpu.memref_slice %swap3A_553[%add3A_506, %swap3A_554] : memref<200x64xf32, #tpu.memory_space<vmem>> -> memref<1x64xf32, #tpu.memory_space<vmem>>
        %swap3A_556 = tpu.memref_squeeze %swap3A_555 : memref<1x64xf32, #tpu.memory_space<vmem>> -> memref<64xf32, #tpu.memory_space<vmem>>
        %swap3A_557 = arith.constant 48 : index
        %swap3A_558 = tpu.vector_load %swap3A_556[%swap3A_557] {strides = array<i32>} : memref<64xf32, #tpu.memory_space<vmem>>, vector<16xf32>,
        tpu.vector_store %swap3A_556[%swap3A_557], %get3A_548 {add = true, strides = array<i32>} : memref<64xf32, #tpu.memory_space<vmem>>, vector<16xf32>,
        %add3A_559 = arith.constant 5 : i32
        %add3A_560 = arith.addi %mul3A_290, %add3A_559 : i32
        %get3A_561 = arith.index_cast %add3A_560 : i32 to index
        %get3A_562 = arith.constant 0 : index
        %get3A_563 = tpu.vector_load %arg8[%get3A_561, %get3A_562] {strides = array<i32>} : memref<200x64xf32, #tpu.memory_space<vmem>>, vector<16xf32>,
        %swap3A_564 = arith.constant 1 : i32
        %swap3A_565 = arith.constant 0 : i32
        %swap3A_566 = arith.constant 0 : i32
        %swap3A_567 = tpu.memref_slice %arg7[%swap3A_564, %swap3A_565, %swap3A_566] : memref<2x200x64xf32, #tpu.memory_space<vmem>> -> memref<1x200x64xf32, #tpu.memory_space<vmem>>
        %swap3A_568 = tpu.memref_squeeze %swap3A_567 : memref<1x200x64xf32, #tpu.memory_space<vmem>> -> memref<200x64xf32, #tpu.memory_space<vmem>>
        %swap3A_569 = arith.constant 0 : i32
        %swap3A_570 = tpu.memref_slice %swap3A_568[%add3A_560, %swap3A_569] : memref<200x64xf32, #tpu.memory_space<vmem>> -> memref<1x64xf32, #tpu.memory_space<vmem>>
        %swap3A_571 = tpu.memref_squeeze %swap3A_570 : memref<1x64xf32, #tpu.memory_space<vmem>> -> memref<64xf32, #tpu.memory_space<vmem>>
        %swap3A_572 = arith.constant 0 : index
        %swap3A_573 = tpu.vector_load %swap3A_571[%swap3A_572] {strides = array<i32>} : memref<64xf32, #tpu.memory_space<vmem>>, vector<16xf32>,
        tpu.vector_store %swap3A_571[%swap3A_572], %get3A_563 {add = true, strides = array<i32>} : memref<64xf32, #tpu.memory_space<vmem>>, vector<16xf32>,
        %get3A_574 = arith.index_cast %add3A_560 : i32 to index
        %get3A_575 = arith.constant 16 : index
        %get3A_576 = tpu.vector_load %arg8[%get3A_574, %get3A_575] {strides = array<i32>} : memref<200x64xf32, #tpu.memory_space<vmem>>, vector<16xf32>,
        %swap3A_577 = arith.constant 1 : i32
        %swap3A_578 = arith.constant 0 : i32
        %swap3A_579 = arith.constant 0 : i32
        %swap3A_580 = tpu.memref_slice %arg7[%swap3A_577, %swap3A_578, %swap3A_579] : memref<2x200x64xf32, #tpu.memory_space<vmem>> -> memref<1x200x64xf32, #tpu.memory_space<vmem>>
        %swap3A_581 = tpu.memref_squeeze %swap3A_580 : memref<1x200x64xf32, #tpu.memory_space<vmem>> -> memref<200x64xf32, #tpu.memory_space<vmem>>
        %swap3A_582 = arith.constant 0 : i32
        %swap3A_583 = tpu.memref_slice %swap3A_581[%add3A_560, %swap3A_582] : memref<200x64xf32, #tpu.memory_space<vmem>> -> memref<1x64xf32, #tpu.memory_space<vmem>>
        %swap3A_584 = tpu.memref_squeeze %swap3A_583 : memref<1x64xf32, #tpu.memory_space<vmem>> -> memref<64xf32, #tpu.memory_space<vmem>>
        %swap3A_585 = arith.constant 16 : index
        %swap3A_586 = tpu.vector_load %swap3A_584[%swap3A_585] {strides = array<i32>} : memref<64xf32, #tpu.memory_space<vmem>>, vector<16xf32>,
        tpu.vector_store %swap3A_584[%swap3A_585], %get3A_576 {add = true, strides = array<i32>} : memref<64xf32, #tpu.memory_space<vmem>>, vector<16xf32>,
        %get3A_587 = arith.index_cast %add3A_560 : i32 to index
        %get3A_588 = arith.constant 32 : index
        %get3A_589 = tpu.vector_load %arg8[%get3A_587, %get3A_588] {strides = array<i32>} : memref<200x64xf32, #tpu.memory_space<vmem>>, vector<16xf32>,
        %swap3A_590 = arith.constant 1 : i32
        %swap3A_591 = arith.constant 0 : i32
        %swap3A_592 = arith.constant 0 : i32
        %swap3A_593 = tpu.memref_slice %arg7[%swap3A_590, %swap3A_591, %swap3A_592] : memref<2x200x64xf32, #tpu.memory_space<vmem>> -> memref<1x200x64xf32, #tpu.memory_space<vmem>>
        %swap3A_594 = tpu.memref_squeeze %swap3A_593 : memref<1x200x64xf32, #tpu.memory_space<vmem>> -> memref<200x64xf32, #tpu.memory_space<vmem>>
        %swap3A_595 = arith.constant 0 : i32
        %swap3A_596 = tpu.memref_slice %swap3A_594[%add3A_560, %swap3A_595] : memref<200x64xf32, #tpu.memory_space<vmem>> -> memref<1x64xf32, #tpu.memory_space<vmem>>
        %swap3A_597 = tpu.memref_squeeze %swap3A_596 : memref<1x64xf32, #tpu.memory_space<vmem>> -> memref<64xf32, #tpu.memory_space<vmem>>
        %swap3A_598 = arith.constant 32 : index
        %swap3A_599 = tpu.vector_load %swap3A_597[%swap3A_598] {strides = array<i32>} : memref<64xf32, #tpu.memory_space<vmem>>, vector<16xf32>,
        tpu.vector_store %swap3A_597[%swap3A_598], %get3A_589 {add = true, strides = array<i32>} : memref<64xf32, #tpu.memory_space<vmem>>, vector<16xf32>,
        %get3A_600 = arith.index_cast %add3A_560 : i32 to index
        %get3A_601 = arith.constant 48 : index
        %get3A_602 = tpu.vector_load %arg8[%get3A_600, %get3A_601] {strides = array<i32>} : memref<200x64xf32, #tpu.memory_space<vmem>>, vector<16xf32>,
        %swap3A_603 = arith.constant 1 : i32
        %swap3A_604 = arith.constant 0 : i32
        %swap3A_605 = arith.constant 0 : i32
        %swap3A_606 = tpu.memref_slice %arg7[%swap3A_603, %swap3A_604, %swap3A_605] : memref<2x200x64xf32, #tpu.memory_space<vmem>> -> memref<1x200x64xf32, #tpu.memory_space<vmem>>
        %swap3A_607 = tpu.memref_squeeze %swap3A_606 : memref<1x200x64xf32, #tpu.memory_space<vmem>> -> memref<200x64xf32, #tpu.memory_space<vmem>>
        %swap3A_608 = arith.constant 0 : i32
        %swap3A_609 = tpu.memref_slice %swap3A_607[%add3A_560, %swap3A_608] : memref<200x64xf32, #tpu.memory_space<vmem>> -> memref<1x64xf32, #tpu.memory_space<vmem>>
        %swap3A_610 = tpu.memref_squeeze %swap3A_609 : memref<1x64xf32, #tpu.memory_space<vmem>> -> memref<64xf32, #tpu.memory_space<vmem>>
        %swap3A_611 = arith.constant 48 : index
        %swap3A_612 = tpu.vector_load %swap3A_610[%swap3A_611] {strides = array<i32>} : memref<64xf32, #tpu.memory_space<vmem>>, vector<16xf32>,
        tpu.vector_store %swap3A_610[%swap3A_611], %get3A_602 {add = true, strides = array<i32>} : memref<64xf32, #tpu.memory_space<vmem>>, vector<16xf32>,
        %add3A_613 = arith.constant 6 : i32
        %add3A_614 = arith.addi %mul3A_290, %add3A_613 : i32
        %get3A_615 = arith.index_cast %add3A_614 : i32 to index
        %get3A_616 = arith.constant 0 : index
        %get3A_617 = tpu.vector_load %arg8[%get3A_615, %get3A_616] {strides = array<i32>} : memref<200x64xf32, #tpu.memory_space<vmem>>, vector<16xf32>,
        %swap3A_618 = arith.constant 1 : i32
        %swap3A_619 = arith.constant 0 : i32
        %swap3A_620 = arith.constant 0 : i32
        %swap3A_621 = tpu.memref_slice %arg7[%swap3A_618, %swap3A_619, %swap3A_620] : memref<2x200x64xf32, #tpu.memory_space<vmem>> -> memref<1x200x64xf32, #tpu.memory_space<vmem>>
        %swap3A_622 = tpu.memref_squeeze %swap3A_621 : memref<1x200x64xf32, #tpu.memory_space<vmem>> -> memref<200x64xf32, #tpu.memory_space<vmem>>
        %swap3A_623 = arith.constant 0 : i32
        %swap3A_624 = tpu.memref_slice %swap3A_622[%add3A_614, %swap3A_623] : memref<200x64xf32, #tpu.memory_space<vmem>> -> memref<1x64xf32, #tpu.memory_space<vmem>>
        %swap3A_625 = tpu.memref_squeeze %swap3A_624 : memref<1x64xf32, #tpu.memory_space<vmem>> -> memref<64xf32, #tpu.memory_space<vmem>>
        %swap3A_626 = arith.constant 0 : index
        %swap3A_627 = tpu.vector_load %swap3A_625[%swap3A_626] {strides = array<i32>} : memref<64xf32, #tpu.memory_space<vmem>>, vector<16xf32>,
        tpu.vector_store %swap3A_625[%swap3A_626], %get3A_617 {add = true, strides = array<i32>} : memref<64xf32, #tpu.memory_space<vmem>>, vector<16xf32>,
        %get3A_628 = arith.index_cast %add3A_614 : i32 to index
        %get3A_629 = arith.constant 16 : index
        %get3A_630 = tpu.vector_load %arg8[%get3A_628, %get3A_629] {strides = array<i32>} : memref<200x64xf32, #tpu.memory_space<vmem>>, vector<16xf32>,
        %swap3A_631 = arith.constant 1 : i32
        %swap3A_632 = arith.constant 0 : i32
        %swap3A_633 = arith.constant 0 : i32
        %swap3A_634 = tpu.memref_slice %arg7[%swap3A_631, %swap3A_632, %swap3A_633] : memref<2x200x64xf32, #tpu.memory_space<vmem>> -> memref<1x200x64xf32, #tpu.memory_space<vmem>>
        %swap3A_635 = tpu.memref_squeeze %swap3A_634 : memref<1x200x64xf32, #tpu.memory_space<vmem>> -> memref<200x64xf32, #tpu.memory_space<vmem>>
        %swap3A_636 = arith.constant 0 : i32
        %swap3A_637 = tpu.memref_slice %swap3A_635[%add3A_614, %swap3A_636] : memref<200x64xf32, #tpu.memory_space<vmem>> -> memref<1x64xf32, #tpu.memory_space<vmem>>
        %swap3A_638 = tpu.memref_squeeze %swap3A_637 : memref<1x64xf32, #tpu.memory_space<vmem>> -> memref<64xf32, #tpu.memory_space<vmem>>
        %swap3A_639 = arith.constant 16 : index
        %swap3A_640 = tpu.vector_load %swap3A_638[%swap3A_639] {strides = array<i32>} : memref<64xf32, #tpu.memory_space<vmem>>, vector<16xf32>,
        tpu.vector_store %swap3A_638[%swap3A_639], %get3A_630 {add = true, strides = array<i32>} : memref<64xf32, #tpu.memory_space<vmem>>, vector<16xf32>,
        %get3A_641 = arith.index_cast %add3A_614 : i32 to index
        %get3A_642 = arith.constant 32 : index
        %get3A_643 = tpu.vector_load %arg8[%get3A_641, %get3A_642] {strides = array<i32>} : memref<200x64xf32, #tpu.memory_space<vmem>>, vector<16xf32>,
        %swap3A_644 = arith.constant 1 : i32
        %swap3A_645 = arith.constant 0 : i32
        %swap3A_646 = arith.constant 0 : i32
        %swap3A_647 = tpu.memref_slice %arg7[%swap3A_644, %swap3A_645, %swap3A_646] : memref<2x200x64xf32, #tpu.memory_space<vmem>> -> memref<1x200x64xf32, #tpu.memory_space<vmem>>
        %swap3A_648 = tpu.memref_squeeze %swap3A_647 : memref<1x200x64xf32, #tpu.memory_space<vmem>> -> memref<200x64xf32, #tpu.memory_space<vmem>>
        %swap3A_649 = arith.constant 0 : i32
        %swap3A_650 = tpu.memref_slice %swap3A_648[%add3A_614, %swap3A_649] : memref<200x64xf32, #tpu.memory_space<vmem>> -> memref<1x64xf32, #tpu.memory_space<vmem>>
        %swap3A_651 = tpu.memref_squeeze %swap3A_650 : memref<1x64xf32, #tpu.memory_space<vmem>> -> memref<64xf32, #tpu.memory_space<vmem>>
        %swap3A_652 = arith.constant 32 : index
        %swap3A_653 = tpu.vector_load %swap3A_651[%swap3A_652] {strides = array<i32>} : memref<64xf32, #tpu.memory_space<vmem>>, vector<16xf32>,
        tpu.vector_store %swap3A_651[%swap3A_652], %get3A_643 {add = true, strides = array<i32>} : memref<64xf32, #tpu.memory_space<vmem>>, vector<16xf32>,
        %get3A_654 = arith.index_cast %add3A_614 : i32 to index
        %get3A_655 = arith.constant 48 : index
        %get3A_656 = tpu.vector_load %arg8[%get3A_654, %get3A_655] {strides = array<i32>} : memref<200x64xf32, #tpu.memory_space<vmem>>, vector<16xf32>,
        %swap3A_657 = arith.constant 1 : i32
        %swap3A_658 = arith.constant 0 : i32
        %swap3A_659 = arith.constant 0 : i32
        %swap3A_660 = tpu.memref_slice %arg7[%swap3A_657, %swap3A_658, %swap3A_659] : memref<2x200x64xf32, #tpu.memory_space<vmem>> -> memref<1x200x64xf32, #tpu.memory_space<vmem>>
        %swap3A_661 = tpu.memref_squeeze %swap3A_660 : memref<1x200x64xf32, #tpu.memory_space<vmem>> -> memref<200x64xf32, #tpu.memory_space<vmem>>
        %swap3A_662 = arith.constant 0 : i32
        %swap3A_663 = tpu.memref_slice %swap3A_661[%add3A_614, %swap3A_662] : memref<200x64xf32, #tpu.memory_space<vmem>> -> memref<1x64xf32, #tpu.memory_space<vmem>>
        %swap3A_664 = tpu.memref_squeeze %swap3A_663 : memref<1x64xf32, #tpu.memory_space<vmem>> -> memref<64xf32, #tpu.memory_space<vmem>>
        %swap3A_665 = arith.constant 48 : index
        %swap3A_666 = tpu.vector_load %swap3A_664[%swap3A_665] {strides = array<i32>} : memref<64xf32, #tpu.memory_space<vmem>>, vector<16xf32>,
        tpu.vector_store %swap3A_664[%swap3A_665], %get3A_656 {add = true, strides = array<i32>} : memref<64xf32, #tpu.memory_space<vmem>>, vector<16xf32>,
        %add3A_667 = arith.constant 7 : i32
        %add3A_668 = arith.addi %mul3A_290, %add3A_667 : i32
        %get3A_669 = arith.index_cast %add3A_668 : i32 to index
        %get3A_670 = arith.constant 0 : index
        %get3A_671 = tpu.vector_load %arg8[%get3A_669, %get3A_670] {strides = array<i32>} : memref<200x64xf32, #tpu.memory_space<vmem>>, vector<16xf32>,
        %swap3A_672 = arith.constant 1 : i32
        %swap3A_673 = arith.constant 0 : i32
        %swap3A_674 = arith.constant 0 : i32
        %swap3A_675 = tpu.memref_slice %arg7[%swap3A_672, %swap3A_673, %swap3A_674] : memref<2x200x64xf32, #tpu.memory_space<vmem>> -> memref<1x200x64xf32, #tpu.memory_space<vmem>>
        %swap3A_676 = tpu.memref_squeeze %swap3A_675 : memref<1x200x64xf32, #tpu.memory_space<vmem>> -> memref<200x64xf32, #tpu.memory_space<vmem>>
        %swap3A_677 = arith.constant 0 : i32
        %swap3A_678 = tpu.memref_slice %swap3A_676[%add3A_668, %swap3A_677] : memref<200x64xf32, #tpu.memory_space<vmem>> -> memref<1x64xf32, #tpu.memory_space<vmem>>
        %swap3A_679 = tpu.memref_squeeze %swap3A_678 : memref<1x64xf32, #tpu.memory_space<vmem>> -> memref<64xf32, #tpu.memory_space<vmem>>
        %swap3A_680 = arith.constant 0 : index
        %swap3A_681 = tpu.vector_load %swap3A_679[%swap3A_680] {strides = array<i32>} : memref<64xf32, #tpu.memory_space<vmem>>, vector<16xf32>,
        tpu.vector_store %swap3A_679[%swap3A_680], %get3A_671 {add = true, strides = array<i32>} : memref<64xf32, #tpu.memory_space<vmem>>, vector<16xf32>,
        %get3A_682 = arith.index_cast %add3A_668 : i32 to index
        %get3A_683 = arith.constant 16 : index
        %get3A_684 = tpu.vector_load %arg8[%get3A_682, %get3A_683] {strides = array<i32>} : memref<200x64xf32, #tpu.memory_space<vmem>>, vector<16xf32>,
        %swap3A_685 = arith.constant 1 : i32
        %swap3A_686 = arith.constant 0 : i32
        %swap3A_687 = arith.constant 0 : i32
        %swap3A_688 = tpu.memref_slice %arg7[%swap3A_685, %swap3A_686, %swap3A_687] : memref<2x200x64xf32, #tpu.memory_space<vmem>> -> memref<1x200x64xf32, #tpu.memory_space<vmem>>
        %swap3A_689 = tpu.memref_squeeze %swap3A_688 : memref<1x200x64xf32, #tpu.memory_space<vmem>> -> memref<200x64xf32, #tpu.memory_space<vmem>>
        %swap3A_690 = arith.constant 0 : i32
        %swap3A_691 = tpu.memref_slice %swap3A_689[%add3A_668, %swap3A_690] : memref<200x64xf32, #tpu.memory_space<vmem>> -> memref<1x64xf32, #tpu.memory_space<vmem>>
        %swap3A_692 = tpu.memref_squeeze %swap3A_691 : memref<1x64xf32, #tpu.memory_space<vmem>> -> memref<64xf32, #tpu.memory_space<vmem>>
        %swap3A_693 = arith.constant 16 : index
        %swap3A_694 = tpu.vector_load %swap3A_692[%swap3A_693] {strides = array<i32>} : memref<64xf32, #tpu.memory_space<vmem>>, vector<16xf32>,
        tpu.vector_store %swap3A_692[%swap3A_693], %get3A_684 {add = true, strides = array<i32>} : memref<64xf32, #tpu.memory_space<vmem>>, vector<16xf32>,
        %get3A_695 = arith.index_cast %add3A_668 : i32 to index
        %get3A_696 = arith.constant 32 : index
        %get3A_697 = tpu.vector_load %arg8[%get3A_695, %get3A_696] {strides = array<i32>} : memref<200x64xf32, #tpu.memory_space<vmem>>, vector<16xf32>,
        %swap3A_698 = arith.constant 1 : i32
        %swap3A_699 = arith.constant 0 : i32
        %swap3A_700 = arith.constant 0 : i32
        %swap3A_701 = tpu.memref_slice %arg7[%swap3A_698, %swap3A_699, %swap3A_700] : memref<2x200x64xf32, #tpu.memory_space<vmem>> -> memref<1x200x64xf32, #tpu.memory_space<vmem>>
        %swap3A_702 = tpu.memref_squeeze %swap3A_701 : memref<1x200x64xf32, #tpu.memory_space<vmem>> -> memref<200x64xf32, #tpu.memory_space<vmem>>
        %swap3A_703 = arith.constant 0 : i32
        %swap3A_704 = tpu.memref_slice %swap3A_702[%add3A_668, %swap3A_703] : memref<200x64xf32, #tpu.memory_space<vmem>> -> memref<1x64xf32, #tpu.memory_space<vmem>>
        %swap3A_705 = tpu.memref_squeeze %swap3A_704 : memref<1x64xf32, #tpu.memory_space<vmem>> -> memref<64xf32, #tpu.memory_space<vmem>>
        %swap3A_706 = arith.constant 32 : index
        %swap3A_707 = tpu.vector_load %swap3A_705[%swap3A_706] {strides = array<i32>} : memref<64xf32, #tpu.memory_space<vmem>>, vector<16xf32>,
        tpu.vector_store %swap3A_705[%swap3A_706], %get3A_697 {add = true, strides = array<i32>} : memref<64xf32, #tpu.memory_space<vmem>>, vector<16xf32>,
        %get3A_708 = arith.index_cast %add3A_668 : i32 to index
        %get3A_709 = arith.constant 48 : index
        %get3A_710 = tpu.vector_load %arg8[%get3A_708, %get3A_709] {strides = array<i32>} : memref<200x64xf32, #tpu.memory_space<vmem>>, vector<16xf32>,
        %swap3A_711 = arith.constant 1 : i32
        %swap3A_712 = arith.constant 0 : i32
        %swap3A_713 = arith.constant 0 : i32
        %swap3A_714 = tpu.memref_slice %arg7[%swap3A_711, %swap3A_712, %swap3A_713] : memref<2x200x64xf32, #tpu.memory_space<vmem>> -> memref<1x200x64xf32, #tpu.memory_space<vmem>>
        %swap3A_715 = tpu.memref_squeeze %swap3A_714 : memref<1x200x64xf32, #tpu.memory_space<vmem>> -> memref<200x64xf32, #tpu.memory_space<vmem>>
        %swap3A_716 = arith.constant 0 : i32
        %swap3A_717 = tpu.memref_slice %swap3A_715[%add3A_668, %swap3A_716] : memref<200x64xf32, #tpu.memory_space<vmem>> -> memref<1x64xf32, #tpu.memory_space<vmem>>
        %swap3A_718 = tpu.memref_squeeze %swap3A_717 : memref<1x64xf32, #tpu.memory_space<vmem>> -> memref<64xf32, #tpu.memory_space<vmem>>
        %swap3A_719 = arith.constant 48 : index
        %swap3A_720 = tpu.vector_load %swap3A_718[%swap3A_719] {strides = array<i32>} : memref<64xf32, #tpu.memory_space<vmem>>, vector<16xf32>,
        tpu.vector_store %swap3A_718[%swap3A_719], %get3A_710 {add = true, strides = array<i32>} : memref<64xf32, #tpu.memory_space<vmem>>, vector<16xf32>,
      }
      %scan3A_261 = arith.constant 25 : i32
      %lt3A_262 = arith.constant 63 : i32
      %lt3A_263 = arith.cmpi slt, %scan3A_133, %lt3A_262 : i32
      %convert_element_type3A_264 = arith.extui %lt3A_263 : i1 to i32
      %cond3A_265 = arith.constant 0 : i32
      %cond3A_266 = arith.cmpi ne, %convert_element_type3A_264, %cond3A_265 : i32
      scf.if %cond3A_266 {
        %add3A_288 = arith.constant 2 : i32
        %add3A_289 = arith.addi %add3A_212, %add3A_288 : i32
        %dma_start3A_290 = arith.constant 1 : i32
        %dma_start3A_291 = arith.constant 1 : i32
        %dma_start3A_292 = arith.constant 0 : i32
        %dma_start3A_293 = arith.constant 0 : i32
        %dma_start3A_294 = tpu.memref_slice %arg7[%dma_start3A_290, %dma_start3A_292, %dma_start3A_293] : memref<2x200x64xf32, #tpu.memory_space<vmem>> -> memref<1x200x64xf32, #tpu.memory_space<vmem>>
        %dma_start3A_295 = tpu.memref_squeeze %dma_start3A_294 : memref<1x200x64xf32, #tpu.memory_space<vmem>> -> memref<200x64xf32, #tpu.memory_space<vmem>>
        %dma_start3A_296 = arith.constant 0 : i32
        %dma_start3A_297 = arith.constant 0 : i32
        %dma_start3A_298 = tpu.memref_slice %dma_start3A_295[%dma_start3A_296, %dma_start3A_297] : memref<200x64xf32, #tpu.memory_space<vmem>> -> memref<104x64xf32, #tpu.memory_space<vmem>>
        %dma_start3A_299 = arith.constant 0 : i32
        %dma_start3A_300 = tpu.memref_slice %arg6[%add3A_289, %dma_start3A_299] : memref<128x200xi32, #tpu.memory_space<vmem>> -> memref<1x200xi32, #tpu.memory_space<vmem>>
        %dma_start3A_301 = tpu.memref_squeeze %dma_start3A_300 : memref<1x200xi32, #tpu.memory_space<vmem>> -> memref<200xi32, #tpu.memory_space<vmem>>
        %dma_start3A_302 = arith.constant 0 : i32
        %dma_start3A_303 = tpu.memref_slice %dma_start3A_301[%dma_start3A_302] : memref<200xi32, #tpu.memory_space<vmem>> -> memref<104xi32, #tpu.memory_space<vmem>>
        %dma_start3A_304 = arith.constant 0 : i32
        %dma_start3A_305 = arith.constant 0 : i32
        %dma_start3A_306 = tpu.memref_slice %arg3[%dma_start3A_304, %dma_start3A_305] : memref<1000000x64xf32, #tpu.memory_space<hbm>> -> memref<1000000x64xf32, #tpu.memory_space<hbm>>
        %dma_start3A_307 = tpu.memref_slice %arg9[%dma_start3A_291] : memref<2x!tpu.dma_semaphore, #tpu.memory_space<semaphore_mem>> -> memref<1x!tpu.dma_semaphore, #tpu.memory_space<semaphore_mem>>
        %dma_start3A_308 = tpu.memref_squeeze %dma_start3A_307 : memref<1x!tpu.dma_semaphore, #tpu.memory_space<semaphore_mem>> -> memref<!tpu.dma_semaphore, #tpu.memory_space<semaphore_mem>>
        tpu.enqueue_indirect_dma source(%dma_start3A_306 : memref<1000000x64xf32, #tpu.memory_space<hbm>>) target(%dma_start3A_298 : memref<104x64xf32, #tpu.memory_space<vmem>>) offsets(%dma_start3A_303 : memref<104xi32, #tpu.memory_space<vmem>>) semaphore(%dma_start3A_308 : memref<!tpu.dma_semaphore, #tpu.memory_space<semaphore_mem>>)
        %dma_start3A_309 = arith.constant 1 : i32
        %dma_start3A_310 = arith.constant 1 : i32
        %dma_start3A_311 = arith.constant 0 : i32
        %dma_start3A_312 = arith.constant 0 : i32
        %dma_start3A_313 = tpu.memref_slice %arg7[%dma_start3A_309, %dma_start3A_311, %dma_start3A_312] : memref<2x200x64xf32, #tpu.memory_space<vmem>> -> memref<1x200x64xf32, #tpu.memory_space<vmem>>
        %dma_start3A_314 = tpu.memref_squeeze %dma_start3A_313 : memref<1x200x64xf32, #tpu.memory_space<vmem>> -> memref<200x64xf32, #tpu.memory_space<vmem>>
        %dma_start3A_315 = arith.constant 104 : i32
        %dma_start3A_316 = arith.constant 0 : i32
        %dma_start3A_317 = tpu.memref_slice %dma_start3A_314[%dma_start3A_315, %dma_start3A_316] : memref<200x64xf32, #tpu.memory_space<vmem>> -> memref<96x64xf32, #tpu.memory_space<vmem>>
        %dma_start3A_318 = arith.constant 0 : i32
        %dma_start3A_319 = tpu.memref_slice %arg6[%add3A_289, %dma_start3A_318] : memref<128x200xi32, #tpu.memory_space<vmem>> -> memref<1x200xi32, #tpu.memory_space<vmem>>
        %dma_start3A_320 = tpu.memref_squeeze %dma_start3A_319 : memref<1x200xi32, #tpu.memory_space<vmem>> -> memref<200xi32, #tpu.memory_space<vmem>>
        %dma_start3A_321 = arith.constant 104 : i32
        %dma_start3A_322 = tpu.memref_slice %dma_start3A_320[%dma_start3A_321] : memref<200xi32, #tpu.memory_space<vmem>> -> memref<96xi32, #tpu.memory_space<vmem>>
        %dma_start3A_323 = arith.constant 0 : i32
        %dma_start3A_324 = arith.constant 0 : i32
        %dma_start3A_325 = tpu.memref_slice %arg3[%dma_start3A_323, %dma_start3A_324] : memref<1000000x64xf32, #tpu.memory_space<hbm>> -> memref<1000000x64xf32, #tpu.memory_space<hbm>>
        %dma_start3A_326 = tpu.memref_slice %arg9[%dma_start3A_310] : memref<2x!tpu.dma_semaphore, #tpu.memory_space<semaphore_mem>> -> memref<1x!tpu.dma_semaphore, #tpu.memory_space<semaphore_mem>>
        %dma_start3A_327 = tpu.memref_squeeze %dma_start3A_326 : memref<1x!tpu.dma_semaphore, #tpu.memory_space<semaphore_mem>> -> memref<!tpu.dma_semaphore, #tpu.memory_space<semaphore_mem>>
        tpu.enqueue_indirect_dma source(%dma_start3A_325 : memref<1000000x64xf32, #tpu.memory_space<hbm>>) target(%dma_start3A_317 : memref<96x64xf32, #tpu.memory_space<vmem>>) offsets(%dma_start3A_322 : memref<96xi32, #tpu.memory_space<vmem>>) semaphore(%dma_start3A_327 : memref<!tpu.dma_semaphore, #tpu.memory_space<semaphore_mem>>)
      } else {
      }
      %add3A_267 = arith.addi %mul3A_2, %add3A_212 : i32
      %dma_start3A_268 = arith.constant 1 : i32
      %dma_start3A_269 = arith.constant 1 : i32
      %dma_start3A_270 = arith.constant 0 : i32
      %dma_start3A_271 = arith.constant 0 : i32
      %dma_start3A_272 = tpu.memref_slice %arg7[%dma_start3A_268, %dma_start3A_270, %dma_start3A_271] : memref<2x200x64xf32, #tpu.memory_space<vmem>> -> memref<1x200x64xf32, #tpu.memory_space<vmem>>
      %dma_start3A_273 = tpu.memref_squeeze %dma_start3A_272 : memref<1x200x64xf32, #tpu.memory_space<vmem>> -> memref<200x64xf32, #tpu.memory_space<vmem>>
      %dma_start3A_274 = arith.constant 0 : i32
      %dma_start3A_275 = arith.constant 0 : i32
      %dma_start3A_276 = tpu.memref_slice %arg5[%add3A_267, %dma_start3A_274, %dma_start3A_275] : memref<4096x200x64xf32, #tpu.memory_space<hbm>> -> memref<1x200x64xf32, #tpu.memory_space<hbm>>
      %dma_start3A_277 = tpu.memref_squeeze %dma_start3A_276 : memref<1x200x64xf32, #tpu.memory_space<hbm>> -> memref<200x64xf32, #tpu.memory_space<hbm>>
      %dma_start3A_278 = tpu.memref_slice %arg10[%dma_start3A_269] : memref<2x!tpu.dma_semaphore, #tpu.memory_space<semaphore_mem>> -> memref<1x!tpu.dma_semaphore, #tpu.memory_space<semaphore_mem>>
      %dma_start3A_279 = tpu.memref_squeeze %dma_start3A_278 : memref<1x!tpu.dma_semaphore, #tpu.memory_space<semaphore_mem>> -> memref<!tpu.dma_semaphore, #tpu.memory_space<semaphore_mem>>
      %dma_start3A_280 = arith.constant 0 : i32
      %dma_start3A_281 = arith.constant 0 : i32
      %dma_start3A_282 = tpu.memref_slice %arg5[%add3A_267, %dma_start3A_280, %dma_start3A_281] : memref<4096x200x64xf32, #tpu.memory_space<hbm>> -> memref<1x200x64xf32, #tpu.memory_space<hbm>>
      %dma_start3A_283 = tpu.memref_squeeze %dma_start3A_282 : memref<1x200x64xf32, #tpu.memory_space<hbm>> -> memref<200x64xf32, #tpu.memory_space<hbm>>
      %dma_start3A_284 = arith.constant 0 : i32
      %dma_start3A_285 = arith.constant 0 : i32
      %dma_start3A_286 = tpu.memref_slice %arg7[%dma_start3A_268, %dma_start3A_284, %dma_start3A_285] : memref<2x200x64xf32, #tpu.memory_space<vmem>> -> memref<1x200x64xf32, #tpu.memory_space<vmem>>
      %dma_start3A_287 = tpu.memref_squeeze %dma_start3A_286 : memref<1x200x64xf32, #tpu.memory_space<vmem>> -> memref<200x64xf32, #tpu.memory_space<vmem>>
      tpu.enqueue_dma source(%dma_start3A_287 : memref<200x64xf32, #tpu.memory_space<vmem>>) target(%dma_start3A_283 : memref<200x64xf32, #tpu.memory_space<hbm>>) target_semaphore(%dma_start3A_279 : memref<!tpu.dma_semaphore, #tpu.memory_space<semaphore_mem>>)
    }
    %scan3A_86 = arith.constant 64 : i32
    %add3A_87 = arith.constant 128 : i32
    %add3A_88 = arith.addi %mul3A_2, %add3A_87 : i32
    %sub3A = arith.constant 2 : i32
    %sub3A_89 = arith.subi %add3A_88, %sub3A : i32
    %dma_wait3A = arith.constant 0 : i32
    %dma_wait3A_90 = arith.constant 0 : i32
    %dma_wait3A_91 = arith.constant 0 : i32
    %dma_wait3A_92 = arith.constant 0 : i32
    %dma_wait3A_93 = tpu.memref_slice %arg7[%dma_wait3A, %dma_wait3A_91, %dma_wait3A_92] : memref<2x200x64xf32, #tpu.memory_space<vmem>> -> memref<1x200x64xf32, #tpu.memory_space<vmem>>
    %dma_wait3A_94 = tpu.memref_squeeze %dma_wait3A_93 : memref<1x200x64xf32, #tpu.memory_space<vmem>> -> memref<200x64xf32, #tpu.memory_space<vmem>>
    %dma_wait3A_95 = arith.constant 0 : i32
    %dma_wait3A_96 = arith.constant 0 : i32
    %dma_wait3A_97 = tpu.memref_slice %arg5[%sub3A_89, %dma_wait3A_95, %dma_wait3A_96] : memref<4096x200x64xf32, #tpu.memory_space<hbm>> -> memref<1x200x64xf32, #tpu.memory_space<hbm>>
    %dma_wait3A_98 = tpu.memref_squeeze %dma_wait3A_97 : memref<1x200x64xf32, #tpu.memory_space<hbm>> -> memref<200x64xf32, #tpu.memory_space<hbm>>
    %dma_wait3A_99 = tpu.memref_slice %arg10[%dma_wait3A_90] : memref<2x!tpu.dma_semaphore, #tpu.memory_space<semaphore_mem>> -> memref<1x!tpu.dma_semaphore, #tpu.memory_space<semaphore_mem>>
    %dma_wait3A_100 = tpu.memref_squeeze %dma_wait3A_99 : memref<1x!tpu.dma_semaphore, #tpu.memory_space<semaphore_mem>> -> memref<!tpu.dma_semaphore, #tpu.memory_space<semaphore_mem>>
    %dma_wait3A_101 = arith.constant 0 : i32
    %dma_wait3A_102 = arith.constant 0 : i32
    %dma_wait3A_103 = tpu.memref_slice %arg5[%sub3A_89, %dma_wait3A_101, %dma_wait3A_102] : memref<4096x200x64xf32, #tpu.memory_space<hbm>> -> memref<1x200x64xf32, #tpu.memory_space<hbm>>
    %dma_wait3A_104 = tpu.memref_squeeze %dma_wait3A_103 : memref<1x200x64xf32, #tpu.memory_space<hbm>> -> memref<200x64xf32, #tpu.memory_space<hbm>>
    %dma_wait3A_105 = arith.constant 0 : i32
    %dma_wait3A_106 = arith.constant 0 : i32
    %dma_wait3A_107 = tpu.memref_slice %arg7[%dma_wait3A, %dma_wait3A_105, %dma_wait3A_106] : memref<2x200x64xf32, #tpu.memory_space<vmem>> -> memref<1x200x64xf32, #tpu.memory_space<vmem>>
    %dma_wait3A_108 = tpu.memref_squeeze %dma_wait3A_107 : memref<1x200x64xf32, #tpu.memory_space<vmem>> -> memref<200x64xf32, #tpu.memory_space<vmem>>
    tpu.wait_dma2 semaphore(%dma_wait3A_100 : memref<!tpu.dma_semaphore, #tpu.memory_space<semaphore_mem>>) src(%dma_wait3A_108 : memref<200x64xf32, #tpu.memory_space<vmem>>) dst(%dma_wait3A_104 : memref<200x64xf32, #tpu.memory_space<hbm>>)
    %add3A_109 = arith.constant 128 : i32
    %add3A_110 = arith.addi %mul3A_2, %add3A_109 : i32
    %sub3A_111 = arith.constant 1 : i32
    %sub3A_112 = arith.subi %add3A_110, %sub3A_111 : i32
    %dma_wait3A_113 = arith.constant 1 : i32
    %dma_wait3A_114 = arith.constant 1 : i32
    %dma_wait3A_115 = arith.constant 0 : i32
    %dma_wait3A_116 = arith.constant 0 : i32
    %dma_wait3A_117 = tpu.memref_slice %arg7[%dma_wait3A_113, %dma_wait3A_115, %dma_wait3A_116] : memref<2x200x64xf32, #tpu.memory_space<vmem>> -> memref<1x200x64xf32, #tpu.memory_space<vmem>>
    %dma_wait3A_118 = tpu.memref_squeeze %dma_wait3A_117 : memref<1x200x64xf32, #tpu.memory_space<vmem>> -> memref<200x64xf32, #tpu.memory_space<vmem>>
    %dma_wait3A_119 = arith.constant 0 : i32
    %dma_wait3A_120 = arith.constant 0 : i32
    %dma_wait3A_121 = tpu.memref_slice %arg5[%sub3A_112, %dma_wait3A_119, %dma_wait3A_120] : memref<4096x200x64xf32, #tpu.memory_space<hbm>> -> memref<1x200x64xf32, #tpu.memory_space<hbm>>
    %dma_wait3A_122 = tpu.memref_squeeze %dma_wait3A_121 : memref<1x200x64xf32, #tpu.memory_space<hbm>> -> memref<200x64xf32, #tpu.memory_space<hbm>>
    %dma_wait3A_123 = tpu.memref_slice %arg10[%dma_wait3A_114] : memref<2x!tpu.dma_semaphore, #tpu.memory_space<semaphore_mem>> -> memref<1x!tpu.dma_semaphore, #tpu.memory_space<semaphore_mem>>
    %dma_wait3A_124 = tpu.memref_squeeze %dma_wait3A_123 : memref<1x!tpu.dma_semaphore, #tpu.memory_space<semaphore_mem>> -> memref<!tpu.dma_semaphore, #tpu.memory_space<semaphore_mem>>
    %dma_wait3A_125 = arith.constant 0 : i32
    %dma_wait3A_126 = arith.constant 0 : i32
    %dma_wait3A_127 = tpu.memref_slice %arg5[%sub3A_112, %dma_wait3A_125, %dma_wait3A_126] : memref<4096x200x64xf32, #tpu.memory_space<hbm>> -> memref<1x200x64xf32, #tpu.memory_space<hbm>>
    %dma_wait3A_128 = tpu.memref_squeeze %dma_wait3A_127 : memref<1x200x64xf32, #tpu.memory_space<hbm>> -> memref<200x64xf32, #tpu.memory_space<hbm>>
    %dma_wait3A_129 = arith.constant 0 : i32
    %dma_wait3A_130 = arith.constant 0 : i32
    %dma_wait3A_131 = tpu.memref_slice %arg7[%dma_wait3A_113, %dma_wait3A_129, %dma_wait3A_130] : memref<2x200x64xf32, #tpu.memory_space<vmem>> -> memref<1x200x64xf32, #tpu.memory_space<vmem>>
    %dma_wait3A_132 = tpu.memref_squeeze %dma_wait3A_131 : memref<1x200x64xf32, #tpu.memory_space<vmem>> -> memref<200x64xf32, #tpu.memory_space<vmem>>
    tpu.wait_dma2 semaphore(%dma_wait3A_124 : memref<!tpu.dma_semaphore, #tpu.memory_space<semaphore_mem>>) src(%dma_wait3A_132 : memref<200x64xf32, #tpu.memory_space<vmem>>) dst(%dma_wait3A_128 : memref<200x64xf32, #tpu.memory_space<hbm>>)
    return
  }
}

</mosaic_0001>

<sc_bundles>
// kernel: kernel.3.cloned.1.call-start
scs
__scs_entry_jumppad:
0x0: {  	(pc) =	sbr.rel $0x88, $3  }
0x1: {  	(tag) =	ssettag $0x0;
	lr =	simm.s32 $0x1  }
0x2: {  	[smem:$0x3F9E] =	sst lr;
	_ =	strace $0xD0000000  }
0x3: {  	_ = 	snop  }
0x4: {  	_ = 	snop  }
0x5: {  	_ = 	snop  }
0x6: {  	_ = 	snop  }
0x7: {  	_ = 	snop  }
__scs_overlays_trampoline_lowered:
0x8: {  	[smem:$0x3FAD] =	sst s0  }
0x9: {  	[smem:$0x3FAE] =	sst s1  }
0xa: {  	[smem:$0x3FAF] =	sst s2  }
0xb: {  	[smem:$0x3FB0] =	sst s3  }
0xc: {  	[smem:$0x3FB1] =	sst s4  }
0xd: {  	[smem:$0x3FB2] =	sst s5  }
0xe: {  	[smem:$0x3FB3] =	sst s6  }
0xf: {  	[smem:$0x3FB4] =	sst s7  }
0x10: {  	[smem:$0x3FB5] =	sst s8  }
0x11: {  	[smem:$0x3FB6] =	sst s9;
	s0 =	simm.s32 @!p0 $0x0  }
0x12: {  	s1 =	sld [smem:$0x3F9C];
	s0 =	simm.s32 @p0 $0x1  }
0x13: {  	[smem:$0x3FB7] =	sst s0;
	s0 =	simm.s32 @!p1 $0x0  }
0x14: {  	s2 =	sld [smem:$0x3F9B];
	s0 =	simm.s32 @p1 $0x1  }
0x15: {  	[smem:$0x3FB8] =	sst s0;
	s0 =	simm.s32 @!p2 $0x0  }
0x16: {  	s3 =	sld [smem:$0x3FDB];
	s0 =	simm.s32 @p2 $0x1  }
0x17: {  	s4 =	simm.s32 $0x1BF5;
	[smem:$0x3FBA] =	sst s0  }
0x18: {  	s0 =	sld [smem:$0x3F9D];
	_ =	swait.ge [sflag:s4], $0x0  }
0x19: {  	s7 =	sld [smem:$0x3F9E]  }
0x1a: {  	s8 =	sadd.s32 $0xFFFFE003, lr  }
0x1b: {  	s9 =	sadd.s32 $0xFFFFFEF7, lr;
	s5 =	simm.s32 $0xFFFFFFFF;
	p2 =	slt.u32 s8, $0xFFFFF086  }
0x1c: {  	p1 =	slt.u32 s9, $0xF7A;
	s5 =	simm.s32 @!p2 $0x0  }
0x1d: {  	s5 =	simm.s32 @p1 $0x1;
	p0 =	seq.s32 s7, s2  }
0x1e: {  	s7 =	smul.u32 @!p0 $0xF7A, s2;
	p2 =	seq.s32 @!p0 s5, $0x0  }
0x1f: {  	s9 =	smul.u32 $0xF7A, s1;
	s8 =	simm.s32 @!p0 $0x1BF5;
	p2 =	por !p2, p0  }
0x20: {  	[sflag:s8] =	ssyncset.s32 @!p0 $0xFFFFF086;
	s6 =	sadd.s32 @!p0 s3, s7;
	s7 =	simm.s32 @!p0 $0x108  }
0x21: {  	s3 =	sadd.s32 s3, s9;
	s6 =	sadd.s32 @!p0 $0x88, s6;
	s7 =	simm.s32 @p2 $0x1082  }
0x22: {  	[simem:s7], [sflag:s8] =	dma.local @!p0 [hbm:s6], $0xF7A  }
0x23: {  	s9 =	sor.u32 $0xD0000000, s2;
	s6 =	simm.s32 $0x108;
	_ =	swait.ge @!p0 [sflag:s8], $0x0  }
0x24: {  	s3 =	sadd.s32 $0x88, s3;
	s6 =	simm.s32 @!p1 $0x1082;
	[sflag:s4] =	ssyncset.s32 $0xFFFFF086  }
0x25: {  	[simem:s6], [sflag:s4] =	dma.local [hbm:s3], $0xF7A  }
0x26: {  	[smem:$0x3F9E] =	sst s1;
	(tag) =	ssettag s2;
	_ =	strace s9  }
0x27: {  	s1 =	sld [smem:$0x3FAE]  }
0x28: {  	s2 =	sld [smem:$0x3FAF]  }
0x29: {  	s4 =	sld [smem:$0x3FB1]  }
0x2a: {  	p0 =	seq.s32 s5, $0x0;
	s5 =	sld [smem:$0x3FB2]  }
0x2b: {  	s6 =	sld [smem:$0x3FB3]  }
0x2c: {  	s7 =	sld [smem:$0x3FB4]  }
0x2d: {  	s3 =	simm.s32 $0x108;
	s8 =	sld [smem:$0x3FB5]  }
0x2e: {  	s3 =	simm.s32 @!p0 $0x1082;
	s9 =	sld [smem:$0x3FB6]  }
0x2f: {  	lr =	sadd.s32 s0, s3;
	s0 =	sld [smem:$0x3FAD]  }
0x30: {  	s3 =	sld [smem:$0x3FB0]  }
0x31: {  	[smem:$0x3FB9] =	sst s10  }
0x32: {  	s10 =	sld [smem:$0x3FB7];
	_ =	sdelay $0x3  }
0x33: {  	p0 =	seq.s32 s10, $0x1;
	s10 =	sld [smem:$0x3FB9];
	_ =	sdelay $0x3  }
0x34: {  	[smem:$0x3FB9] =	sst s10  }
0x35: {  	s10 =	sld [smem:$0x3FB8];
	_ =	sdelay $0x3  }
0x36: {  	p1 =	seq.s32 s10, $0x1;
	s10 =	sld [smem:$0x3FB9];
	_ =	sdelay $0x3  }
0x37: {  	[smem:$0x3FB9] =	sst s10  }
0x38: {  	s10 =	sld [smem:$0x3FBA]  }
0x39: {  	_ = 	snop;
	(pc) =	sbr.ind lr, $3  }
0x3a: {  	_ = 	snop  }
0x3b: {  	_ = 	snop  }
0x3c: {  	p2 =	seq.s32 s10, $0x1;
	s10 =	sld [smem:$0x3FB9]  }
0x3d: {  	_ =	shalt  }
0x3e: {  	_ =	shalt  }
0x3f: {  	_ =	shalt  }
0x40: {  	_ =	shalt  }
0x41: {  	_ =	shalt  }
0x42: {  	_ =	shalt  }
0x43: {  	_ =	shalt  }
0x44: {  	_ =	shalt  }
0x45: {  	_ =	shalt  }
0x46: {  	_ =	shalt  }
0x47: {  	_ =	shalt  }
0x48: {  	_ =	shalt  }
0x49: {  	_ =	shalt  }
0x4a: {  	_ =	shalt  }
0x4b: {  	_ =	shalt  }
0x4c: {  	_ =	shalt  }
0x4d: {  	_ =	shalt  }
0x4e: {  	_ =	shalt  }
0x4f: {  	_ =	shalt  }
0x50: {  	_ =	shalt  }
0x51: {  	_ =	shalt  }
0x52: {  	_ =	shalt  }
0x53: {  	_ =	shalt  }
0x54: {  	_ =	shalt  }
0x55: {  	_ =	shalt  }
0x56: {  	_ =	shalt  }
0x57: {  	_ =	shalt  }
0x58: {  	_ =	shalt  }
0x59: {  	_ =	shalt  }
0x5a: {  	_ =	shalt  }
0x5b: {  	_ =	shalt  }
0x5c: {  	_ =	shalt  }
0x5d: {  	_ =	shalt  }
0x5e: {  	_ =	shalt  }
0x5f: {  	_ =	shalt  }
0x60: {  	_ =	shalt  }
0x61: {  	_ =	shalt  }
0x62: {  	_ =	shalt  }
0x63: {  	_ =	shalt  }
0x64: {  	_ =	shalt  }
0x65: {  	_ =	shalt  }
0x66: {  	_ =	shalt  }
0x67: {  	_ =	shalt  }
0x68: {  	_ =	shalt  }
0x69: {  	_ =	shalt  }
0x6a: {  	_ =	shalt  }
0x6b: {  	_ =	shalt  }
0x6c: {  	_ =	shalt  }
0x6d: {  	_ =	shalt  }
0x6e: {  	_ =	shalt  }
0x6f: {  	_ =	shalt  }
0x70: {  	_ =	shalt  }
0x71: {  	_ =	shalt  }
0x72: {  	_ =	shalt  }
0x73: {  	_ =	shalt  }
0x74: {  	_ =	shalt  }
0x75: {  	_ =	shalt  }
0x76: {  	_ =	shalt  }
0x77: {  	_ =	shalt  }
0x78: {  	_ =	shalt  }
0x79: {  	_ =	shalt  }
0x7a: {  	_ =	shalt  }
0x7b: {  	_ =	shalt  }
0x7c: {  	_ =	shalt  }
0x7d: {  	_ =	shalt  }
0x7e: {  	_ =	shalt  }
0x7f: {  	_ =	shalt  }
0x80: {  	_ =	shalt  }
0x81: {  	_ =	shalt  }
0x82: {  	_ =	shalt  }
0x83: {  	_ =	shalt  }
0x84: {  	_ =	shalt  }
0x85: {  	_ =	shalt  }
0x86: {  	_ =	shalt  }
0x87: {  	_ =	shalt  }
.Lfunc_end0:
.L_simem_size_0:
called_computation.1_lowered:
.L_overlay_start_0:
0x88: {  	s2 =	sld [smem:$0x3FD9]  }
0x89: {  	s3 =	sld [smem:$0x3FFE];
	_ =	sdelay $0x1  }
0x8a: {  	s1 =	srdreg.scid  }
0x8b: {  	s0 =	sand.u32 $0x1, s1  }
0x8c: {  	s17 =	sshll.u32 s0, $0xA;
	s2 =	sadd.s32 s3, s2  }
0x8d: {  	s2 =	sadd.s32 s2, s17  }
0x8e: {  	[smem:$0x3FC5] =	sst s2  }
0x8f: {  	_ = 	snop  }
0x90: {  	s2 =	sld [smem:$0x3FD0];
	(tm) =	ssettm $0x1  }
0x91: {  	s18 =	sld [smem:$0x3FFB];
	_ =	sdelay $0x3  }
0x92: {  	_ =	strace s18  }
0x93: {  	s3 =	sld [smem:$0x3FFC];
	_ =	sdelay $0x3  }
0x94: {  	_ =	strace s3  }
0x95: {  	s3 =	sld [smem:$0x3FFD];
	_ =	sdelay $0x3  }
0x96: {  	_ =	strace s3  }
0x97: {  	_ =	strace $0x8FFFFFFF  }
0x98: {  	s19 =	sld [smem:$0x3FDB];
	_ =	sdelay $0x1  }
0x99: {  	s4 =	simm.s32 $_scs_section_size  }
0x9a: {  	s5 =	simm.s32 $_size__tile_overlayer_lowered;
	s6 =	simm.s32 $_tile_overlayer_lowered  }
0x9b: {  	s22 =	simm.s32 $0x1BFF;
	s21 =	sshll.u32 s6, $0x1;
	s3 =	sadd.s32 s4, s19  }
0x9c: {  	s7 =	simm.s32 $0x0;
	s20 =	sshll.u32 s5, $0x1;
	s5 =	sadd.s32 s21, s3  }
0x9d: {  	[timem:s7], [sflag:s22] =	dma.local [hbm:s5], s20  }
0x9e: {  	_ =	swait.ge [sflag:s22], s20  }
0x9f: {  	s4 =	ssub.s32 $0x0, s20;
	[sflag:s22] =	ssyncset.done $0x0  }
0xa0: {  	[sflag:s22] =	ssyncadd.s32 s4;
	_ =	sdelay $0x1  }
0xa1: {  	s23 =	simm.s32 $0x1B8B  }
0xa2: {  	_ =	swait.ge [sflag:s23], $0x1  }
0xa3: {  	[sflag:s23] =	ssyncset.done $0x0  }
0xa4: {  	s25 =	simm.s32 $0x1B8E;
	s24 =	sld [smem:$0x3FFE];
	[sflag:s23] =	ssyncadd.s32 $0xFFFFFFFF  }
0xa5: {  	s26 =	simm.s32 $execute0_lowered;
	[smem:$0x3FD2] =	sst s25  }
0xa6: {  	s5 =	sshll.u32 s26, $0x1;
	_ =	strace $0x80000046;
	[dreg:$0x1] =	wrdreg $0xFFFFFFFF  }
0xa7: {  	s28 =	simm.s32 $_size_execute0_lowered;
	s3 =	sadd.s32 s3, s5;
	[dreg:$0x0] =	wrdreg $0x0  }
0xa8: {  	s5 =	sshll.u32 s28, $0x1;
	[dreg:$0x2] =	wrdreg s3  }
0xa9: {  	[dreg:$0x3] =	wrdreg s5  }
0xaa: {  	[dreg:$0x4] =	wrdreg $0xC0  }
0xab: {  	_ =	task [dreg:s7], $0x5FFFF  }
0xac: {  	[dreg:$0x1] =	wrdreg $0xFFFFFFFF  }
0xad: {  	[dreg:$0x0] =	wrdreg $0x60  }
0xae: {  	[dreg:$0x2] =	wrdreg s24  }
0xaf: {  	[dreg:$0x3] =	wrdreg s2  }
0xb0: {  	[dreg:$0x4] =	wrdreg $0x9  }
0xb1: {  	_ =	task.clear_ibuf [dreg:s7], $0x5FFFF;
	_ =	strace $0x90000046  }
0xb2: {  	s29 =	simm.s32 $0x9;
	_ =	strace $0x80000048  }
0xb3: {  	_ =	swait.ge [sflag:s29], $0x1  }
0xb4: {  	[sflag:s29] =	ssyncadd.s32 $0xFFFFFFFF  }
0xb5: {  	_ =	strace $0x90000048  }
0xb6: {  	_ =	sfence  }
0xb7: {  	s30 =	sld [smem:$0x0];
	_ =	sdelay $0x2  }
0xb8: {  	s31 =	sshll.u32 s1, $0xD;
	s1 =	sshrl.u32 s1, $0x2  }
0xb9: {  	s3 =	sand.u32 $0x4000, s31;
	s1 =	sadd.s32 s1, s30  }
0xba: {  	s0 =	sor.u32 s3, s0;
	s1 =	sshll.u32 s1, $0x11  }
0xbb: {  	s0 =	sor.u32 s1, s0  }
0xbc: {  	s0 =	sadd.s32 $0x8F2B, s0  }
0xbd: {  	[sflag:s0] =	ssyncadd.remote.s32 $0x1  }
0xbe: {  	_ =	sfence.sel $0xFFFF  }
0xbf: {  	[dreg:$0x0] =	wrdreg $0xFFFFFFFF;
	(pc) =	sbr.abs _section_cstart, $3  }
0xc0: {  	[dreg:$0x1] =	wrdreg $0xFFFFFFFF  }
0xc1: {  	_ =	task.clear_ibuf [dreg:s7], $0x2FFFF;
	_ =	strace $0x9FFFFFFF  }
0xc2: {  	(tm) =	ssettm $0x7FFFFFFF  }
0xc3: {  	_ =	shalt  }
tec
execute0_lowered:
.L_overlay_start_1:
0x0: {  	(tag) =	ssettag $0x1  }
0x1: {  	s1 =	srdreg.scid  }
0x2: {  	s6 =	rddreg [dreg:$0x0];
	s0 =	stileid.u32  }
0x3: {  	s2 =	rddreg [dreg:$0x1];
	s3 =	simm.s32 $0x0;
	s10 =	simm.s32 $0x68  }
0x4: {  	s11 =	simm.s32 $0x6400;
	s12 =	simm.s32 $0x60;
	s13 =	simm.s32 $0x7E00  }
0x5: {  	s14 =	simm.s32 $0xC8;
	s15 =	simm.s32 $0x9600;
	s16 =	simm.s32 $0x130  }
0x6: {  	s17 =	simm.s32 $0xB000;
	s18 =	simm.s32 $0xC800;
	s19 =	simm.s32 $0x1  }
0x7: {  	s20 =	simm.s32 $0x2;
	s21 =	simm.s32 $0x3;
	s5 =	sand.u32 $0x1, s1  }
0x8: {  	s22 =	simm.s32 $0x4;
	s4 =	sshll.u32 s0, $0x8;
	s7 =	sshll.u32 s5, $0x7  }
0x9: {  	s23 =	simm.s32 $0x0;
	s1 =	rddreg [dreg:$0x2];
	s4 =	sor.u32 s7, s4  }
0xa: {  	[smem:$0x7FF] =	sst s3;
	s8 =	ssub.s32 $0x2, s5;
	s7 =	smul.u32 $0x19, s4  }
0xb: {  	_ =	strace $0x80000047;
	s5 =	sadd.s32 $0xF43000, s6;
	s9 =	sshrl.u32 s8, $0x1  }
0xc: {  	s8 =	ssub.s32 s8, s9;
	s9 =	simm.s32 $0x5;
	s7 =	sadd.s32 s7, s6  }
0xd: {  	s8 =	smax.u32 s8, $0x1;
	s6 =	sadd.s32 $0x19C00, s6;
	s7 =	sadd.s32 $0xC00, s7  }
.LBB2_1:
0xe: {  	[tilespmem:s3], [sflag:$0x5] =	stream.linear.gather [hbm4b:s7+s3], $0x6400, $0x38;
	[tilespmem:$0xFA00] =	vst v63  }
0xf: {  	_ =	swait.ge [sflag:s9], $0x6400  }
0x10: {  	[sflag:s9] =	ssyncset.done $0x0  }
0x11: {  	[sflag:s9] =	ssyncadd.s32 $0xFFFF9C00  }
0x12: {  	[tilespmem:s11], [sflag:$0x1] =	stream.indirect.gather [hbm4b:s5+s10], $0x40, s3, s10, $0xb8;
	[tilespmem:$0xFA00] =	vst v63  }
0x13: {  	_ = 	snop  }
0x14: {  	[tilespmem:s13], [sflag:$0x1] =	stream.indirect.gather [hbm4b:s5+s12], $0x40, s10, s12, $0xb8;
	[tilespmem:$0xFA00] =	vst v63  }
0x15: {  	_ = 	snop  }
0x16: {  	[tilespmem:s15], [sflag:$0x2] =	stream.indirect.gather [hbm4b:s5+s10], $0x40, s14, s10, $0xb8;
	[tilespmem:$0xFA00] =	vst v63  }
0x17: {  	_ = 	snop  }
0x18: {  	[tilespmem:s17], [sflag:$0x2] =	stream.indirect.gather [hbm4b:s5+s12], $0x40, s16, s12, $0xb8;
	[tilespmem:$0xFA00] =	vst v63  }
0x19: {  	_ = 	snop  }
0x1a: {  	[tilespmem:s18], [sflag:$0x5] =	stream.linear.gather [hbm4b:s6+s3], $0x3200, $0x38;
	[tilespmem:$0xFA00] =	vst v63  }
0x1b: {  	_ =	swait.ge [sflag:s9], $0x3200  }
0x1c: {  	[sflag:s9] =	ssyncset.done $0x0  }
0x1d: {  	s24 =	simm.s32 $0x0;
	[sflag:s9] =	ssyncadd.s32 $0xFFFFCE00  }
.LBB2_2:
0x1e: {  	_ =	swait.ge [sflag:s19], $0x1A00  }
0x1f: {  	[sflag:s19] =	ssyncset.done $0x0  }
0x20: {  	[sflag:s19] =	ssyncadd.s32 $0xFFFFE600  }
0x21: {  	_ =	swait.ge [sflag:s19], $0x1800  }
0x22: {  	p1 =	seq.s32 s24, $0x0;
	[sflag:s19] =	ssyncset.done $0x0  }
0x23: {  	s25 =	simm.s32 @!p1 $0x3;
	[sflag:s19] =	ssyncadd.s32 $0xFFFFE800  }
0x24: {  	_ =	swait.ge @!p1 [sflag:s25], $0x3200  }
0x25: {  	s26 =	sshll.u32 s24, $0x1;
	[sflag:s25] =	ssyncset.done @!p1 $0x0  }
0x26: {  	s28 =	simm.s32 $0x0;
	[sflag:s25] =	ssyncadd.s32 @!p1 $0xFFFFCE00;
	s25 =	simm.s32 $0x800  }
.LBB2_3:
0x27: {  	p0 =	sne.s32 s25, $0xC000;
	v0 =	vld [tilespmem:s28+$0xC9F0]  }
0x28: {  	v1 =	vld [tilespmem:s28+$0xC800]  }
0x29: {  	v2 =	vld [tilespmem:s28+$0xC810]  }
0x2a: {  	v3 =	vld [tilespmem:s28+$0xC820]  }
0x2b: {  	v4 =	vld [tilespmem:s28+$0xC830]  }
0x2c: {  	[tilespmem:s28+$0x65F0] =	vst.add.f32.msk $0xffff, v0  }
0x2d: {  	v0 =	vld [tilespmem:s28+$0xC840]  }
0x2e: {  	v5 =	vld [tilespmem:s28+$0xC850]  }
0x2f: {  	v6 =	vld [tilespmem:s28+$0xC860]  }
0x30: {  	v7 =	vld [tilespmem:s28+$0xC870]  }
0x31: {  	v8 =	vld [tilespmem:s28+$0xC880]  }
0x32: {  	v9 =	vld [tilespmem:s28+$0xC890]  }
0x33: {  	v10 =	vld [tilespmem:s28+$0xC8A0]  }
0x34: {  	v11 =	vld [tilespmem:s28+$0xC8B0]  }
0x35: {  	v12 =	vld [tilespmem:s28+$0xC8C0]  }
0x36: {  	v13 =	vld [tilespmem:s28+$0xC8D0]  }
0x37: {  	v14 =	vld [tilespmem:s28+$0xC8E0]  }
0x38: {  	v15 =	vld [tilespmem:s28+$0xC8F0]  }
0x39: {  	v16 =	vld [tilespmem:s28+$0xC900]  }
0x3a: {  	v17 =	vld [tilespmem:s28+$0xC910]  }
0x3b: {  	v18 =	vld [tilespmem:s28+$0xC920]  }
0x3c: {  	v19 =	vld [tilespmem:s28+$0xC930]  }
0x3d: {  	v20 =	vld [tilespmem:s28+$0xC940]  }
0x3e: {  	v21 =	vld [tilespmem:s28+$0xC950]  }
0x3f: {  	v22 =	vld [tilespmem:s28+$0xC960]  }
0x40: {  	v23 =	vld [tilespmem:s28+$0xC970]  }
0x41: {  	v24 =	vld [tilespmem:s28+$0xC980]  }
0x42: {  	v25 =	vld [tilespmem:s28+$0xC990]  }
0x43: {  	v26 =	vld [tilespmem:s28+$0xC9A0]  }
0x44: {  	v27 =	vld [tilespmem:s28+$0xC9B0]  }
0x45: {  	v28 =	vld [tilespmem:s28+$0xC9C0]  }
0x46: {  	v29 =	vld [tilespmem:s28+$0xC9D0]  }
0x47: {  	v30 =	vld [tilespmem:s28+$0xC9E0]  }
0x48: {  	[tilespmem:s28+$0x6400] =	vst.add.f32.msk $0xffff, v1  }
0x49: {  	[tilespmem:s28+$0x6410] =	vst.add.f32.msk $0xffff, v2  }
0x4a: {  	[tilespmem:s28+$0x6420] =	vst.add.f32.msk $0xffff, v3  }
0x4b: {  	[tilespmem:s28+$0x6430] =	vst.add.f32.msk $0xffff, v4  }
0x4c: {  	[tilespmem:s28+$0x6440] =	vst.add.f32.msk $0xffff, v0  }
0x4d: {  	[tilespmem:s28+$0x6450] =	vst.add.f32.msk $0xffff, v5  }
0x4e: {  	[tilespmem:s28+$0x6460] =	vst.add.f32.msk $0xffff, v6  }
0x4f: {  	[tilespmem:s28+$0x6470] =	vst.add.f32.msk $0xffff, v7  }
0x50: {  	[tilespmem:s28+$0x6480] =	vst.add.f32.msk $0xffff, v8  }
0x51: {  	[tilespmem:s28+$0x6490] =	vst.add.f32.msk $0xffff, v9  }
0x52: {  	[tilespmem:s28+$0x64A0] =	vst.add.f32.msk $0xffff, v10  }
0x53: {  	[tilespmem:s28+$0x64B0] =	vst.add.f32.msk $0xffff, v11  }
0x54: {  	[tilespmem:s28+$0x64C0] =	vst.add.f32.msk $0xffff, v12  }
0x55: {  	[tilespmem:s28+$0x64D0] =	vst.add.f32.msk $0xffff, v13  }
0x56: {  	[tilespmem:s28+$0x64E0] =	vst.add.f32.msk $0xffff, v14  }
0x57: {  	[tilespmem:s28+$0x64F0] =	vst.add.f32.msk $0xffff, v15  }
0x58: {  	[tilespmem:s28+$0x6500] =	vst.add.f32.msk $0xffff, v16  }
0x59: {  	[tilespmem:s28+$0x6510] =	vst.add.f32.msk $0xffff, v17  }
0x5a: {  	[tilespmem:s28+$0x6520] =	vst.add.f32.msk $0xffff, v18  }
0x5b: {  	[tilespmem:s28+$0x6530] =	vst.add.f32.msk $0xffff, v19  }
0x5c: {  	[tilespmem:s28+$0x6540] =	vst.add.f32.msk $0xffff, v20  }
0x5d: {  	[tilespmem:s28+$0x6550] =	vst.add.f32.msk $0xffff, v21  }
0x5e: {  	[tilespmem:s28+$0x6560] =	vst.add.f32.msk $0xffff, v22  }
0x5f: {  	[tilespmem:s28+$0x6570] =	vst.add.f32.msk $0xffff, v23  }
0x60: {  	[tilespmem:s28+$0x6580] =	vst.add.f32.msk $0xffff, v24  }
0x61: {  	[tilespmem:s28+$0x6590] =	vst.add.f32.msk $0xffff, v25  }
.Ltmp0:
0x62: {  	[tilespmem:s28+$0x65A0] =	vst.add.f32.msk $0xffff, v26;
	(pc) =	sbr.rel @p0 .LBB2_3-.Ltmp0, $4  }
0x63: {  	[tilespmem:s28+$0x65B0] =	vst.add.f32.msk $0xffff, v27  }
0x64: {  	[tilespmem:s28+$0x65C0] =	vst.add.f32.msk $0xffff, v28  }
0x65: {  	[tilespmem:s28+$0x65D0] =	vst.add.f32.msk $0xffff, v29  }
0x66: {  	[tilespmem:s28+$0x65E0] =	vst.add.f32.msk $0xffff, v30;
	s28 =	sshra.s32 s25, $0x2;
	s25 =	sadd.s32 $0x800, s25  }
0x67: {  	v0 =	vld [tilespmem:s28+$0xC9F0]  }
0x68: {  	v1 =	vld [tilespmem:s28+$0xC800]  }
0x69: {  	v2 =	vld [tilespmem:s28+$0xC810]  }
0x6a: {  	v3 =	vld [tilespmem:s28+$0xC820]  }
0x6b: {  	v4 =	vld [tilespmem:s28+$0xC830]  }
0x6c: {  	v63 =	vld [tilespmem:s28+$0xC840]  }
0x6d: {  	v5 =	vld [tilespmem:s28+$0xC850]  }
0x6e: {  	v6 =	vld [tilespmem:s28+$0xC860]  }
0x6f: {  	v7 =	vld [tilespmem:s28+$0xC870]  }
0x70: {  	v8 =	vld [tilespmem:s28+$0xC880]  }
0x71: {  	v9 =	vld [tilespmem:s28+$0xC890]  }
0x72: {  	v10 =	vld [tilespmem:s28+$0xC8A0]  }
0x73: {  	v11 =	vld [tilespmem:s28+$0xC8B0]  }
0x74: {  	v12 =	vld [tilespmem:s28+$0xC8C0]  }
0x75: {  	v13 =	vld [tilespmem:s28+$0xC8D0]  }
0x76: {  	v14 =	vld [tilespmem:s28+$0xC8E0]  }
0x77: {  	v15 =	vld [tilespmem:s28+$0xC8F0]  }
0x78: {  	v16 =	vld [tilespmem:s28+$0xC900]  }
0x79: {  	v17 =	vld [tilespmem:s28+$0xC910]  }
0x7a: {  	v18 =	vld [tilespmem:s28+$0xC920]  }
0x7b: {  	v19 =	vld [tilespmem:s28+$0xC930]  }
0x7c: {  	v20 =	vld [tilespmem:s28+$0xC940]  }
0x7d: {  	v21 =	vld [tilespmem:s28+$0xC950]  }
0x7e: {  	v22 =	vld [tilespmem:s28+$0xC960]  }
0x7f: {  	v23 =	vld [tilespmem:s28+$0xC970]  }
0x80: {  	v24 =	vld [tilespmem:s28+$0xC980]  }
0x81: {  	v25 =	vld [tilespmem:s28+$0xC990]  }
0x82: {  	v26 =	vld [tilespmem:s28+$0xC9A0]  }
0x83: {  	v27 =	vld [tilespmem:s28+$0xC9B0]  }
0x84: {  	v28 =	vld [tilespmem:s28+$0xC9C0]  }
0x85: {  	v29 =	vld [tilespmem:s28+$0xC9D0]  }
0x86: {  	v30 =	vld [tilespmem:s28+$0xC9E0]  }
0x87: {  	[tilespmem:s28+$0x65F0] =	vst.add.f32.msk $0xffff, v0  }
0x88: {  	[tilespmem:s28+$0x6400] =	vst.add.f32.msk $0xffff, v1  }
0x89: {  	[tilespmem:s28+$0x6410] =	vst.add.f32.msk $0xffff, v2  }
0x8a: {  	[tilespmem:s28+$0x6420] =	vst.add.f32.msk $0xffff, v3  }
0x8b: {  	[tilespmem:s28+$0x6430] =	vst.add.f32.msk $0xffff, v4  }
0x8c: {  	[tilespmem:s28+$0x6440] =	vst.add.f32.msk $0xffff, v63  }
0x8d: {  	[tilespmem:s28+$0x6450] =	vst.add.f32.msk $0xffff, v5  }
0x8e: {  	[tilespmem:s28+$0x6460] =	vst.add.f32.msk $0xffff, v6  }
0x8f: {  	[tilespmem:s28+$0x6470] =	vst.add.f32.msk $0xffff, v7  }
0x90: {  	[tilespmem:s28+$0x6480] =	vst.add.f32.msk $0xffff, v8  }
0x91: {  	[tilespmem:s28+$0x6490] =	vst.add.f32.msk $0xffff, v9  }
0x92: {  	[tilespmem:s28+$0x64A0] =	vst.add.f32.msk $0xffff, v10  }
0x93: {  	[tilespmem:s28+$0x64B0] =	vst.add.f32.msk $0xffff, v11  }
0x94: {  	[tilespmem:s28+$0x64C0] =	vst.add.f32.msk $0xffff, v12  }
0x95: {  	[tilespmem:s28+$0x64D0] =	vst.add.f32.msk $0xffff, v13  }
0x96: {  	[tilespmem:s28+$0x64E0] =	vst.add.f32.msk $0xffff, v14  }
0x97: {  	[tilespmem:s28+$0x64F0] =	vst.add.f32.msk $0xffff, v15  }
0x98: {  	[tilespmem:s28+$0x6500] =	vst.add.f32.msk $0xffff, v16  }
0x99: {  	[tilespmem:s28+$0x6510] =	vst.add.f32.msk $0xffff, v17  }
0x9a: {  	[tilespmem:s28+$0x6520] =	vst.add.f32.msk $0xffff, v18  }
0x9b: {  	[tilespmem:s28+$0x6530] =	vst.add.f32.msk $0xffff, v19  }
0x9c: {  	[tilespmem:s28+$0x6540] =	vst.add.f32.msk $0xffff, v20  }
0x9d: {  	[tilespmem:s28+$0x6550] =	vst.add.f32.msk $0xffff, v21  }
0x9e: {  	[tilespmem:s28+$0x6560] =	vst.add.f32.msk $0xffff, v22  }
0x9f: {  	[tilespmem:s28+$0x6570] =	vst.add.f32.msk $0xffff, v23  }
0xa0: {  	[tilespmem:s28+$0x6580] =	vst.add.f32.msk $0xffff, v24  }
0xa1: {  	[tilespmem:s28+$0x6590] =	vst.add.f32.msk $0xffff, v25  }
0xa2: {  	p0 =	seq.s32 s24, $0x3F;
	[tilespmem:s28+$0x65A0] =	vst.add.f32.msk $0xffff, v26  }
0xa3: {  	s25 =	smul.u32 @!p0 $0x640, s24;
	[tilespmem:s28+$0x65B0] =	vst.add.f32.msk $0xffff, v27  }
0xa4: {  	[tilespmem:s28+$0x65C0] =	vst.add.f32.msk $0xffff, v28  }
0xa5: {  	s25 =	sshra.s32 @!p0 s25, $0x2;
	[tilespmem:s28+$0x65D0] =	vst.add.f32.msk $0xffff, v29  }
0xa6: {  	s29 =	simm.s32 @!p0 $0x68;
	s30 =	simm.s32 @!p0 $0x6400;
	[tilespmem:s28+$0x65E0] =	vst.add.f32.msk $0xffff, v30;
	s28 =	sadd.s32 @!p0 $0x190, s25  }
0xa7: {  	[tilespmem:s30], [sflag:$0x1] =	stream.indirect.gather @!p0 [hbm4b:s5+s29], $0x40, s28, s29, $0xb8;
	[tilespmem:$0xFA00] =	vst v63  }
0xa8: {  	s31 =	simm.s32 @!p0 $0x7E00;
	s29 =	sadd.s32 s4, s26  }
0xa9: {  	s28 =	sadd.s32 @!p0 $0x1F8, s25;
	s30 =	simm.s32 @!p0 $0x60;
	s29 =	smul.u32 $0x640, s29  }
0xaa: {  	[tilespmem:s31], [sflag:$0x1] =	stream.indirect.gather @!p0 [hbm4b:s5+s30], $0x40, s28, s30, $0xb8;
	[tilespmem:$0xFA00] =	vst v63  }
0xab: {  	s28 =	sadd.s32 s2, s29  }
0xac: {  	[hbm4b:s28+s3] =	stream.linear.scatter [tilespmem:s11], [sflag:$0x3], $0x3200, $0x38;
	[tilespmem:$0xFA00] =	vst v63  }
0xad: {  	_ =	swait.ge [sflag:s20], $0x1A00  }
0xae: {  	[sflag:s20] =	ssyncset.done $0x0  }
0xaf: {  	[sflag:s20] =	ssyncadd.s32 $0xFFFFE600  }
0xb0: {  	_ =	swait.ge [sflag:s20], $0x1800  }
0xb1: {  	[sflag:s20] =	ssyncset.done $0x0  }
0xb2: {  	s28 =	simm.s32 @!p1 $0x4;
	[sflag:s20] =	ssyncadd.s32 $0xFFFFE800  }
0xb3: {  	_ =	swait.ge @!p1 [sflag:s28], $0x3200  }
0xb4: {  	s26 =	sor.u32 $0x1, s26;
	[sflag:s28] =	ssyncset.done @!p1 $0x0  }
0xb5: {  	s29 =	simm.s32 $0x800;
	[sflag:s28] =	ssyncadd.s32 @!p1 $0xFFFFCE00;
	s28 =	simm.s32 $0x0  }
.LBB2_5:
0xb6: {  	p1 =	sne.s32 s29, $0xC000;
	v0 =	vld [tilespmem:s28+$0xC9F0]  }
0xb7: {  	v1 =	vld [tilespmem:s28+$0xC800]  }
0xb8: {  	v2 =	vld [tilespmem:s28+$0xC810]  }
0xb9: {  	v3 =	vld [tilespmem:s28+$0xC820]  }
0xba: {  	v4 =	vld [tilespmem:s28+$0xC830]  }
0xbb: {  	[tilespmem:s28+$0x97F0] =	vst.add.f32.msk $0xffff, v0  }
0xbc: {  	v0 =	vld [tilespmem:s28+$0xC840]  }
0xbd: {  	v5 =	vld [tilespmem:s28+$0xC850]  }
0xbe: {  	v6 =	vld [tilespmem:s28+$0xC860]  }
0xbf: {  	v7 =	vld [tilespmem:s28+$0xC870]  }
0xc0: {  	v8 =	vld [tilespmem:s28+$0xC880]  }
0xc1: {  	v9 =	vld [tilespmem:s28+$0xC890]  }
0xc2: {  	v10 =	vld [tilespmem:s28+$0xC8A0]  }
0xc3: {  	v11 =	vld [tilespmem:s28+$0xC8B0]  }
0xc4: {  	v12 =	vld [tilespmem:s28+$0xC8C0]  }
0xc5: {  	v13 =	vld [tilespmem:s28+$0xC8D0]  }
0xc6: {  	v14 =	vld [tilespmem:s28+$0xC8E0]  }
0xc7: {  	v15 =	vld [tilespmem:s28+$0xC8F0]  }
0xc8: {  	v16 =	vld [tilespmem:s28+$0xC900]  }
0xc9: {  	v17 =	vld [tilespmem:s28+$0xC910]  }
0xca: {  	v18 =	vld [tilespmem:s28+$0xC920]  }
0xcb: {  	v19 =	vld [tilespmem:s28+$0xC930]  }
0xcc: {  	v20 =	vld [tilespmem:s28+$0xC940]  }
0xcd: {  	v21 =	vld [tilespmem:s28+$0xC950]  }
0xce: {  	v22 =	vld [tilespmem:s28+$0xC960]  }
0xcf: {  	v23 =	vld [tilespmem:s28+$0xC970]  }
0xd0: {  	v24 =	vld [tilespmem:s28+$0xC980]  }
0xd1: {  	v25 =	vld [tilespmem:s28+$0xC990]  }
0xd2: {  	v26 =	vld [tilespmem:s28+$0xC9A0]  }
0xd3: {  	v27 =	vld [tilespmem:s28+$0xC9B0]  }
0xd4: {  	v28 =	vld [tilespmem:s28+$0xC9C0]  }
0xd5: {  	v29 =	vld [tilespmem:s28+$0xC9D0]  }
0xd6: {  	v30 =	vld [tilespmem:s28+$0xC9E0]  }
0xd7: {  	[tilespmem:s28+$0x9600] =	vst.add.f32.msk $0xffff, v1  }
0xd8: {  	[tilespmem:s28+$0x9610] =	vst.add.f32.msk $0xffff, v2  }
0xd9: {  	[tilespmem:s28+$0x9620] =	vst.add.f32.msk $0xffff, v3  }
0xda: {  	[tilespmem:s28+$0x9630] =	vst.add.f32.msk $0xffff, v4  }
0xdb: {  	[tilespmem:s28+$0x9640] =	vst.add.f32.msk $0xffff, v0  }
0xdc: {  	[tilespmem:s28+$0x9650] =	vst.add.f32.msk $0xffff, v5  }
0xdd: {  	[tilespmem:s28+$0x9660] =	vst.add.f32.msk $0xffff, v6  }
0xde: {  	[tilespmem:s28+$0x9670] =	vst.add.f32.msk $0xffff, v7  }
0xdf: {  	[tilespmem:s28+$0x9680] =	vst.add.f32.msk $0xffff, v8  }
0xe0: {  	[tilespmem:s28+$0x9690] =	vst.add.f32.msk $0xffff, v9  }
0xe1: {  	[tilespmem:s28+$0x96A0] =	vst.add.f32.msk $0xffff, v10  }
0xe2: {  	[tilespmem:s28+$0x96B0] =	vst.add.f32.msk $0xffff, v11  }
0xe3: {  	[tilespmem:s28+$0x96C0] =	vst.add.f32.msk $0xffff, v12  }
0xe4: {  	[tilespmem:s28+$0x96D0] =	vst.add.f32.msk $0xffff, v13  }
0xe5: {  	[tilespmem:s28+$0x96E0] =	vst.add.f32.msk $0xffff, v14  }
0xe6: {  	[tilespmem:s28+$0x96F0] =	vst.add.f32.msk $0xffff, v15  }
0xe7: {  	[tilespmem:s28+$0x9700] =	vst.add.f32.msk $0xffff, v16  }
0xe8: {  	[tilespmem:s28+$0x9710] =	vst.add.f32.msk $0xffff, v17  }
0xe9: {  	[tilespmem:s28+$0x9720] =	vst.add.f32.msk $0xffff, v18  }
0xea: {  	[tilespmem:s28+$0x9730] =	vst.add.f32.msk $0xffff, v19  }
0xeb: {  	[tilespmem:s28+$0x9740] =	vst.add.f32.msk $0xffff, v20  }
0xec: {  	[tilespmem:s28+$0x9750] =	vst.add.f32.msk $0xffff, v21  }
0xed: {  	[tilespmem:s28+$0x9760] =	vst.add.f32.msk $0xffff, v22  }
0xee: {  	[tilespmem:s28+$0x9770] =	vst.add.f32.msk $0xffff, v23  }
0xef: {  	[tilespmem:s28+$0x9780] =	vst.add.f32.msk $0xffff, v24  }
0xf0: {  	[tilespmem:s28+$0x9790] =	vst.add.f32.msk $0xffff, v25  }
.Ltmp1:
0xf1: {  	[tilespmem:s28+$0x97A0] =	vst.add.f32.msk $0xffff, v26;
	(pc) =	sbr.rel @p1 .LBB2_5-.Ltmp1, $4  }
0xf2: {  	[tilespmem:s28+$0x97B0] =	vst.add.f32.msk $0xffff, v27  }
0xf3: {  	[tilespmem:s28+$0x97C0] =	vst.add.f32.msk $0xffff, v28  }
0xf4: {  	[tilespmem:s28+$0x97D0] =	vst.add.f32.msk $0xffff, v29  }
0xf5: {  	[tilespmem:s28+$0x97E0] =	vst.add.f32.msk $0xffff, v30;
	s28 =	sshra.s32 s29, $0x2;
	s29 =	sadd.s32 $0x800, s29  }
0xf6: {  	v0 =	vld [tilespmem:s28+$0xC9F0]  }
0xf7: {  	v1 =	vld [tilespmem:s28+$0xC800]  }
0xf8: {  	v2 =	vld [tilespmem:s28+$0xC810]  }
0xf9: {  	v3 =	vld [tilespmem:s28+$0xC820]  }
0xfa: {  	v4 =	vld [tilespmem:s28+$0xC830]  }
0xfb: {  	v63 =	vld [tilespmem:s28+$0xC840]  }
0xfc: {  	v5 =	vld [tilespmem:s28+$0xC850]  }
0xfd: {  	v6 =	vld [tilespmem:s28+$0xC860]  }
0xfe: {  	v7 =	vld [tilespmem:s28+$0xC870]  }
0xff: {  	v8 =	vld [tilespmem:s28+$0xC880]  }
0x100: {  	v9 =	vld [tilespmem:s28+$0xC890]  }
0x101: {  	v10 =	vld [tilespmem:s28+$0xC8A0]  }
0x102: {  	v11 =	vld [tilespmem:s28+$0xC8B0]  }
0x103: {  	v12 =	vld [tilespmem:s28+$0xC8C0]  }
0x104: {  	v13 =	vld [tilespmem:s28+$0xC8D0]  }
0x105: {  	v14 =	vld [tilespmem:s28+$0xC8E0]  }
0x106: {  	v15 =	vld [tilespmem:s28+$0xC8F0]  }
0x107: {  	v16 =	vld [tilespmem:s28+$0xC900]  }
0x108: {  	v17 =	vld [tilespmem:s28+$0xC910]  }
0x109: {  	v18 =	vld [tilespmem:s28+$0xC920]  }
0x10a: {  	v19 =	vld [tilespmem:s28+$0xC930]  }
0x10b: {  	v20 =	vld [tilespmem:s28+$0xC940]  }
0x10c: {  	v21 =	vld [tilespmem:s28+$0xC950]  }
0x10d: {  	v22 =	vld [tilespmem:s28+$0xC960]  }
0x10e: {  	v23 =	vld [tilespmem:s28+$0xC970]  }
0x10f: {  	v24 =	vld [tilespmem:s28+$0xC980]  }
0x110: {  	v25 =	vld [tilespmem:s28+$0xC990]  }
0x111: {  	v26 =	vld [tilespmem:s28+$0xC9A0]  }
0x112: {  	v27 =	vld [tilespmem:s28+$0xC9B0]  }
0x113: {  	v28 =	vld [tilespmem:s28+$0xC9C0]  }
0x114: {  	v29 =	vld [tilespmem:s28+$0xC9D0]  }
0x115: {  	v30 =	vld [tilespmem:s28+$0xC9E0]  }
0x116: {  	[tilespmem:s28+$0x97F0] =	vst.add.f32.msk $0xffff, v0  }
0x117: {  	[tilespmem:s28+$0x9600] =	vst.add.f32.msk $0xffff, v1  }
0x118: {  	[tilespmem:s28+$0x9610] =	vst.add.f32.msk $0xffff, v2  }
0x119: {  	[tilespmem:s28+$0x9620] =	vst.add.f32.msk $0xffff, v3  }
0x11a: {  	[tilespmem:s28+$0x9630] =	vst.add.f32.msk $0xffff, v4  }
0x11b: {  	[tilespmem:s28+$0x9640] =	vst.add.f32.msk $0xffff, v63  }
0x11c: {  	[tilespmem:s28+$0x9650] =	vst.add.f32.msk $0xffff, v5  }
0x11d: {  	[tilespmem:s28+$0x9660] =	vst.add.f32.msk $0xffff, v6  }
0x11e: {  	[tilespmem:s28+$0x9670] =	vst.add.f32.msk $0xffff, v7  }
0x11f: {  	[tilespmem:s28+$0x9680] =	vst.add.f32.msk $0xffff, v8  }
0x120: {  	[tilespmem:s28+$0x9690] =	vst.add.f32.msk $0xffff, v9  }
0x121: {  	[tilespmem:s28+$0x96A0] =	vst.add.f32.msk $0xffff, v10  }
0x122: {  	[tilespmem:s28+$0x96B0] =	vst.add.f32.msk $0xffff, v11  }
0x123: {  	[tilespmem:s28+$0x96C0] =	vst.add.f32.msk $0xffff, v12  }
0x124: {  	[tilespmem:s28+$0x96D0] =	vst.add.f32.msk $0xffff, v13  }
0x125: {  	[tilespmem:s28+$0x96E0] =	vst.add.f32.msk $0xffff, v14  }
0x126: {  	[tilespmem:s28+$0x96F0] =	vst.add.f32.msk $0xffff, v15  }
0x127: {  	[tilespmem:s28+$0x9700] =	vst.add.f32.msk $0xffff, v16  }
0x128: {  	[tilespmem:s28+$0x9710] =	vst.add.f32.msk $0xffff, v17  }
0x129: {  	[tilespmem:s28+$0x9720] =	vst.add.f32.msk $0xffff, v18  }
0x12a: {  	[tilespmem:s28+$0x9730] =	vst.add.f32.msk $0xffff, v19  }
0x12b: {  	[tilespmem:s28+$0x9740] =	vst.add.f32.msk $0xffff, v20  }
0x12c: {  	[tilespmem:s28+$0x9750] =	vst.add.f32.msk $0xffff, v21  }
0x12d: {  	[tilespmem:s28+$0x9760] =	vst.add.f32.msk $0xffff, v22  }
0x12e: {  	[tilespmem:s28+$0x9770] =	vst.add.f32.msk $0xffff, v23  }
0x12f: {  	[tilespmem:s28+$0x9780] =	vst.add.f32.msk $0xffff, v24  }
0x130: {  	[tilespmem:s28+$0x9790] =	vst.add.f32.msk $0xffff, v25  }
0x131: {  	[tilespmem:s28+$0x97A0] =	vst.add.f32.msk $0xffff, v26  }
0x132: {  	[tilespmem:s28+$0x97B0] =	vst.add.f32.msk $0xffff, v27  }
0x133: {  	[tilespmem:s28+$0x97C0] =	vst.add.f32.msk $0xffff, v28  }
0x134: {  	s29 =	simm.s32 @!p0 $0x68;
	[tilespmem:s28+$0x97D0] =	vst.add.f32.msk $0xffff, v29  }
0x135: {  	s30 =	simm.s32 @!p0 $0x9600;
	s24 =	sadd.s32 $0x1, s24;
	[tilespmem:s28+$0x97E0] =	vst.add.f32.msk $0xffff, v30;
	s28 =	sadd.s32 @!p0 $0x258, s25  }
0x136: {  	[tilespmem:s30], [sflag:$0x2] =	stream.indirect.gather @!p0 [hbm4b:s5+s29], $0x40, s28, s29, $0xb8;
	[tilespmem:$0xFA00] =	vst v63  }
0x137: {  	s25 =	sadd.s32 @!p0 $0x2C0, s25;
	s28 =	simm.s32 @!p0 $0x60;
	s29 =	simm.s32 @!p0 $0xB000  }
0x138: {  	[tilespmem:s29], [sflag:$0x2] =	stream.indirect.gather @!p0 [hbm4b:s5+s28], $0x40, s25, s28, $0xb8;
	[tilespmem:$0xFA00] =	vst v63  }
0x139: {  	p0 =	sne.s32 s24, $0x40  }
.Ltmp2:
0x13a: {  	s26 =	sadd.s32 s4, s26;
	(pc) =	sbr.rel @p0 .LBB2_2-.Ltmp2, $3  }
0x13b: {  	s26 =	smul.u32 $0x640, s26;
	_ =	sdelay $0x1  }
0x13c: {  	s31 =	sadd.s32 s2, s26  }
0x13d: {  	[hbm4b:s31+s3] =	stream.linear.scatter [tilespmem:s15], [sflag:$0x4], $0x3200, $0x38;
	[tilespmem:$0xFA00] =	vst v63  }
0x13e: {  	s23 =	sadd.s32 $0x1, s23  }
0x13f: {  	_ =	swait.ge [sflag:s21], $0x3200;
	p0 =	sne.s32 s23, s8  }
.Ltmp3:
0x140: {  	[sflag:s21] =	ssyncset.done $0x0;
	(pc) =	sbr.rel @p0 .LBB2_1-.Ltmp3, $4  }
0x141: {  	[sflag:s21] =	ssyncadd.s32 $0xFFFFCE00  }
0x142: {  	_ =	swait.ge [sflag:s22], $0x3200  }
0x143: {  	[sflag:s22] =	ssyncset.done $0x0  }
0x144: {  	[sflag:s22] =	ssyncadd.s32 $0xFFFFCE00  }
0x145: {  	_ =	sfence.sel $0x180000  }
0x146: {  	[bflag:$0x0] =	sbarrier.arrive $0xFFFF  }
0x147: {  	p0 =	sne.s32 s0, $0x0;
	_ =	strace $0x90000047  }
0x148: {  	s0 =	sadd.s32 @!p0 $0x100000, s1;
	[bflag:$0x2] =	sbarrier.arrive $0xFFFF  }
0x149: {  	[sflag:s0] =	ssyncadd.tile.s32 @!p0 $0x1;
	_ =	shalt  }
.Lfunc_end2:
_tile_overlayer_lowered:
.L_overlay_start_2:
0x14a: {  	(tag) =	ssettag $0x2  }
0x14b: {  	s0 =	rddreg [dreg:$0x0];
	s2 =	stileid.u32  }
0x14c: {  	s1 =	rddreg [dreg:$0x1];
	p0 =	sne.s32 s2, $0x0  }
0x14d: {  	s3 =	rddreg [dreg:$0x2];
	[bflag:$0x3] =	sbarrier.arrive $0xFFFF;
	s2 =	simm.s32 @!p0 $0x1C05  }
0x14e: {  	[timem:s3], [sflag:s2] =	dma.local @!p0 [hbm:s0], s1  }
0x14f: {  	s0 =	simm.s32 @!p0 $0x5  }
0x150: {  	_ =	swait.ge @!p0 [sflag:s0], s1  }
0x151: {  	s1 =	ssub.s32 @!p0 $0x0, s1;
	[sflag:s0] =	ssyncset.done @!p0 $0x0  }
0x152: {  	[sflag:s0] =	ssyncadd.s32 @!p0 s1  }
0x153: {  	[bflag:$0x3] =	sbarrier.arrive $0xFFFF  }
0x154: {  	_ =	shalt  }

// kernel: sparse-core-data-format-call.cloned.1.call-start
scs
called_computation_lowered:
.L_overlay_start_0:
0x0: {  	s2 =	sld [smem:$0x3FD9]  }
0x1: {  	s3 =	sld [smem:$0x3FFE];
	_ =	sdelay $0x1  }
0x2: {  	s1 =	srdreg.scid  }
0x3: {  	s0 =	sand.u32 $0x1, s1  }
0x4: {  	s18 =	sshll.u32 s0, $0xA;
	s2 =	sadd.s32 s3, s2  }
0x5: {  	s2 =	sadd.s32 s2, s18  }
0x6: {  	[smem:$0x3FC5] =	sst s2  }
0x7: {  	_ = 	snop  }
0x8: {  	s2 =	sld [smem:$0x3FD0];
	(tm) =	ssettm $0x1  }
0x9: {  	s19 =	sld [smem:$0x3FFB];
	_ =	sdelay $0x3  }
0xa: {  	_ =	strace s19  }
0xb: {  	s3 =	sld [smem:$0x3FFC];
	_ =	sdelay $0x3  }
0xc: {  	_ =	strace s3  }
0xd: {  	s3 =	sld [smem:$0x3FFD];
	_ =	sdelay $0x3  }
0xe: {  	_ =	strace s3  }
0xf: {  	_ =	strace $0x8FFFFFFF  }
0x10: {  	s20 =	sld [smem:$0x3FDB];
	_ =	sdelay $0x1  }
0x11: {  	s4 =	simm.s32 $_scs_section_size  }
0x12: {  	s5 =	simm.s32 $_size__tile_overlayer_lowered;
	s6 =	simm.s32 $_tile_overlayer_lowered  }
0x13: {  	s23 =	simm.s32 $0x1BFF;
	s22 =	sshll.u32 s6, $0x1;
	s3 =	sadd.s32 s4, s20  }
0x14: {  	s7 =	simm.s32 $0x0;
	s21 =	sshll.u32 s5, $0x1;
	s5 =	sadd.s32 s22, s3  }
0x15: {  	[timem:s7], [sflag:s23] =	dma.local [hbm:s5], s21  }
0x16: {  	_ =	swait.ge [sflag:s23], s21  }
0x17: {  	s4 =	ssub.s32 $0x0, s21;
	[sflag:s23] =	ssyncset.done $0x0  }
0x18: {  	[sflag:s23] =	ssyncadd.s32 s4;
	_ =	sdelay $0x1  }
0x19: {  	s24 =	simm.s32 $0x1B8B  }
0x1a: {  	_ =	swait.ge [sflag:s24], $0x1  }
0x1b: {  	[sflag:s24] =	ssyncset.done $0x0  }
0x1c: {  	s26 =	simm.s32 $0x1B8E;
	s25 =	sld [smem:$0x3FFE];
	[sflag:s24] =	ssyncadd.s32 $0xFFFFFFFF  }
0x1d: {  	s27 =	simm.s32 $execute0_lowered;
	[smem:$0x3FD2] =	sst s26  }
0x1e: {  	s5 =	sshll.u32 s27, $0x1;
	_ =	strace $0x80000049;
	[dreg:$0x1] =	wrdreg $0xFFFFFFFF  }
0x1f: {  	s28 =	simm.s32 $_size_execute0_lowered;
	s3 =	sadd.s32 s3, s5;
	[dreg:$0x0] =	wrdreg $0x0  }
0x20: {  	s5 =	sshll.u32 s28, $0x1;
	[dreg:$0x2] =	wrdreg s3  }
0x21: {  	[dreg:$0x3] =	wrdreg s5  }
0x22: {  	[dreg:$0x4] =	wrdreg $0xC0  }
0x23: {  	_ =	task [dreg:s7], $0x5FFFF  }
0x24: {  	[dreg:$0x1] =	wrdreg $0xFFFFFFFF  }
0x25: {  	[dreg:$0x0] =	wrdreg $0x60  }
0x26: {  	[dreg:$0x2] =	wrdreg s25  }
0x27: {  	[dreg:$0x3] =	wrdreg s2  }
0x28: {  	[dreg:$0x4] =	wrdreg $0x9  }
0x29: {  	_ =	task.clear_ibuf [dreg:s7], $0x5FFFF;
	_ =	strace $0x90000049  }
0x2a: {  	s29 =	simm.s32 $0x9;
	_ =	strace $0x8000004B  }
0x2b: {  	_ =	swait.ge [sflag:s29], $0x1  }
0x2c: {  	[sflag:s29] =	ssyncadd.s32 $0xFFFFFFFF  }
0x2d: {  	_ =	strace $0x9000004B  }
0x2e: {  	_ =	sfence  }
0x2f: {  	s30 =	sld [smem:$0x0];
	_ =	sdelay $0x2  }
0x30: {  	s31 =	sshll.u32 s1, $0xD;
	s1 =	sshrl.u32 s1, $0x2  }
0x31: {  	s3 =	sand.u32 $0x4000, s31;
	s1 =	sadd.s32 s1, s30  }
0x32: {  	s0 =	sor.u32 s3, s0;
	s1 =	sshll.u32 s1, $0x11  }
0x33: {  	s0 =	sor.u32 s1, s0  }
0x34: {  	s0 =	sadd.s32 $0x8F2B, s0  }
0x35: {  	[sflag:s0] =	ssyncadd.remote.s32 $0x1  }
0x36: {  	_ =	sfence.sel $0xFFFF  }
0x37: {  	[dreg:$0x0] =	wrdreg $0xFFFFFFFF;
	(pc) =	sbr.abs _section_cstart, $3  }
0x38: {  	[dreg:$0x1] =	wrdreg $0xFFFFFFFF  }
0x39: {  	_ =	task.clear_ibuf [dreg:s7], $0x2FFFF;
	_ =	strace $0x9FFFFFFF  }
0x3a: {  	(tm) =	ssettm $0x7FFFFFFF  }
0x3b: {  	_ =	shalt  }
tec
execute0_lowered:
.L_overlay_start_1:
0x0: {  	(tag) =	ssettag $0x1  }
0x1: {  	s0 =	srdreg.scid  }
0x2: {  	s1 =	sshll.u32 s0, $0x4  }
0x3: {  	s0 =	stileid.u32;
	s1 =	sand.u32 $0x10, s1  }
0x4: {  	s1 =	sor.u32 s0, s1  }
0x5: {  	s6 =	rddreg [dreg:$0x0];
	s4 =	simm.s32 $0x1;
	s2 =	sshll.u32 s1, $0x7  }
0x6: {  	s7 =	simm.s32 $0x2;
	s13 =	simm.s32 $0x0;
	s1 =	ssub.s32 $0x1000, s2  }
0x7: {  	s8 =	simm.s32 $0xC8000;
	s12 =	simm.s32 $0x0;
	s3 =	sand.u32 $0xF80, s1  }
0x8: {  	s9 =	simm.s32 $0x0;
	s5 =	sshrl.u32 s1, $0xC;
	p0 =	sne.s32 s3, $0x0  }
.Ltmp0:
0x9: {  	s1 =	rddreg [dreg:$0x2];
	s4 =	simm.s32 @!p0 $0x0;
	(pc) =	sbr.rel .LBB1_1-.Ltmp0, $4  }
0xa: {  	s11 =	simm.s32 $0x0;
	s3 =	rddreg [dreg:$0x1];
	s5 =	sadd.s32 s4, s5  }
0xb: {  	_ =	strace $0x8000004A;
	s4 =	simm.s32 $0x1;
	s5 =	smul.u32 $0xC8, s5  }
0xc: {  	s6 =	sadd.s32 $0xC00, s6;
	s10 =	smov.u32 s2;
	[sflag:s4] =	ssyncpa.u1 $0x0  }
0xd: {  	p0 =	por $0x0, $0x0;
	[sflag:s7] =	ssyncpa.u1 $0x0;
	s7 =	sor.u32 $0x1, s5  }
.LBB1_4:
0xe: {  	s16 =	sshll.u32 s13, $0xC;
	s17 =	sshll.u32 s12, $0x3  }
0xf: {  	s16 =	sand.u32 $0xFFFF8000, s16;
	s18 =	sand.u32 $0xFFFFFC00, s17  }
0x10: {  	s16 =	sadd.s32 s18, s16  }
0x11: {  	s16 =	sshrl.u32 s16, $0xC  }
0x12: {  	s29 =	smulhi.u32 $0x147AE15, s16  }
0x13: {  	s19 =	sand.u32 $0x78, s12;
	s30 =	sshll.u32 s13, $0x7;
	s17 =	sand.u32 $0xC00, s17  }
0x14: {  	s13 =	sand.u32 $0x380, s30;
	s17 =	sor.u32 s19, s17;
	s18 =	smul.u32 $0xC8, s29  }
0x15: {  	s13 =	sor.u32 s13, s17  }
0x16: {  	[tilespmem:s15+$0x810 ss:$0x81] =	vst.msk $0xffff, v2;
	s31 =	sand.u32 $0x7, s12;
	s13 =	sshrl.u32 s13, $0x3;
	s16 =	ssub.s32 s16, s18  }
0x17: {  	[tilespmem:s15+$0x1020 ss:$0x81] =	vst.msk $0xffff, v0;
	s12 =	sshll.u32 s31, $0x12;
	s13 =	sadd.s32 s3, s13;
	s16 =	sshll.u32 s16, $0x9  }
0x18: {  	[tilespmem:s15+$0x0 ss:$0x81] =	vst.msk $0xffff, v1;
	s12 =	sor.u32 $0x80, s12;
	s13 =	sadd.s32 s16, s13  }
0x19: {  	[hbm4b:s13+s12] =	stream.strided.scatter [tilespmem:s14], [sflag:$0x2], $0x2000, s8, s12, $0x20;
	[tilespmem:$0x8080] =	vst v63  }
.LBB1_5:
0x1a: {  	s14 =	sadd.s32 $0x1, s9  }
0x1b: {  	s12 =	sadd.s32 $0x1000, s10;
	s16 =	smov.u32 s10;
	p2 =	sgt.s32 s14, $0xC7  }
0x1c: {  	s16 =	smov.u32 @p2 s12  }
0x1d: {  	s14 =	simm.s32 @p2 $0x0;
	p2 =	sgt.s32 s16, $0xFFF  }
0x1e: {  	s16 =	smov.u32 @p2 s2;
	p2 =	sne.s32 s11, s7  }
.Ltmp1:
0x1f: {  	p1 =	slt.u32 s11, $0x2;
	(pc) =	sbr.rel @!p2 .LBB1_6-.Ltmp1, $4  }
0x20: {  	s15 =	simm.s32 @!p1 $0x2  }
0x21: {  	s13 =	smov.u32 s9;
	p0 =	por !p0, !p0;
	_ =	swait.ge @!p1 [sflag:s15], $0x2000  }
0x22: {  	s12 =	smov.u32 s10;
	[sflag:s15] =	ssyncset.done @!p1 $0x0;
	s9 =	smov.u32 s14  }
0x23: {  	s11 =	sadd.s32 $0x1, s11;
	[sflag:s15] =	ssyncadd.s32 @!p1 $0xFFFFE000;
	s10 =	smov.u32 s16  }
.LBB1_1:
0x24: {  	p1 =	sge.u32 s11, s5  }
0x25: {  	s14 =	sand.u32 @!p1 $0x1FFFFFF, s9  }
0x26: {  	s15 =	smulhi.u32 @!p1 $0x147AE15, s14;
	_ =	sdelay $0x1  }
0x27: {  	s15 =	smul.u32 @!p1 $0xC8, s15  }
0x28: {  	s16 =	sxor.u32 @!p1 $0xFFFFFFFF, s11;
	s17 =	smul.u32 @!p1 $0xC80, s10  }
0x29: {  	s31 =	sadd.s32 $0xFFFFFFFF, s11;
	s16 =	sshll.u32 @!p1 s16, $0xD;
	s14 =	ssub.s32 @!p1 s14, s15  }
0x2a: {  	s15 =	sand.u32 @!p1 $0x2000, s16;
	s16 =	sadd.s32 @!p1 s6, s17;
	s14 =	sshll.u32 @!p1 s14, $0x4  }
0x2b: {  	s17 =	simm.s32 @!p1 $0x6400;
	s14 =	sadd.s32 @!p1 s14, s16;
	s16 =	simm.s32 @!p1 $0x40  }
0x2c: {  	[tilespmem:s15], [sflag:$0x1] =	stream.strided.gather @!p1 [hbm4b:s14+s16], $0x2000, s17, s16, $0x38;
	[tilespmem:$0x8080] =	vst v63  }
0x2d: {  	p1 =	sge.u32 s31, s5  }
.Ltmp2:
0x2e: {  	_ = 	snop;
	(pc) =	sbr.rel @p1 .LBB1_5-.Ltmp2, $1  }
0x2f: {  	_ =	sdelay $0x3  }
0x30: {  	s14 =	simm.s32 $0x1  }
0x31: {  	_ =	swait.ge [sflag:s4], $0x2000;
	s14 =	simm.s32 @!p0 $0x0  }
0x32: {  	[sflag:s4] =	ssyncset.done $0x0;
	s15 =	sshll.u32 s14, $0xD  }
0x33: {  	[sflag:s4] =	ssyncadd.s32 $0xFFFFE000;
	s18 =	sor.u32 $0x20, s15  }
0x34: {  	s14 =	smul.u32 $0x8100, s14;
	v3 =	vld [tilespmem:s18+$0x10]  }
0x35: {  	s30 =	sand.u32 $0x1, s11;
	v2 =	vld [tilespmem:s18+$0xFFFFFFF0]  }
0x36: {  	s15 =	smul.u32 $0x8100, s30;
	s14 =	sshrl.u32 s14, $0x2;
	v0 =	vld [tilespmem:s18+$0x0]  }
0x37: {  	v1 =	vld [tilespmem:s18+$0xFFFFFFE0];
	s16 =	sor.u32 $0x4000, s14  }
0x38: {  	s31 =	sshrl.u32 s15, $0x2;
	s15 =	sadd.s32 $0x0, s16  }
0x39: {  	s17 =	simm.s32 $0x4;
	s18 =	sadd.s32 $0x40, s18;
	s14 =	sor.u32 $0x4000, s31;
	[tilespmem:s15+$0x1830 ss:$0x81] =	vst.msk $0xffff, v3  }
.LBB1_3:
0x3a: {  	v3 =	vld [tilespmem:s18+$0x10];
	p1 =	sne.s32 s17, $0x1FC;
	[tilespmem:s15+$0x810 ss:$0x81] =	vst.msk $0xffff, v2;
	s19 =	smov.u32 s17;
	s17 =	sadd.s32 $0x4, s17  }
.Ltmp3:
0x3b: {  	v2 =	vld [tilespmem:s18+$0xFFFFFFF0];
	[tilespmem:s15+$0x1020 ss:$0x81] =	vst.msk $0xffff, v0;
	(pc) =	sbr.rel @p1 .LBB1_3-.Ltmp3, $4  }
0x3c: {  	v0 =	vld [tilespmem:s18+$0x0];
	[tilespmem:s15+$0x0 ss:$0x81] =	vst.msk $0xffff, v1  }
0x3d: {  	s15 =	sshra.s32 s19, $0x2;
	v1 =	vld [tilespmem:s18+$0xFFFFFFE0]  }
0x3e: {  	s15 =	sadd.s32 s15, s16  }
0x3f: {  	s18 =	sadd.s32 $0x40, s18;
	[tilespmem:s15+$0x1830 ss:$0x81] =	vst.msk $0xffff, v3  }
.Ltmp4:
0x40: {  	_ = 	snop;
	(pc) =	sbr.rel .LBB1_4-.Ltmp4, $1  }
0x41: {  	_ =	sdelay $0x3  }
.LBB1_6:
0x42: {  	_ =	sfence.sel $0x180000  }
0x43: {  	s2 =	simm.s32 $0x1;
	[bflag:$0x0] =	sbarrier.arrive $0xFFFF  }
0x44: {  	s31 =	simm.s32 $0x2;
	[sflag:s2] =	ssyncpa.u1 $0x1  }
0x45: {  	[sflag:s31] =	ssyncpa.u1 $0x1  }
0x46: {  	p0 =	sne.s32 s0, $0x0;
	_ =	strace $0x9000004A  }
0x47: {  	s0 =	sadd.s32 @!p0 $0x100000, s1;
	[bflag:$0x2] =	sbarrier.arrive $0xFFFF  }
0x48: {  	[sflag:s0] =	ssyncadd.tile.s32 @!p0 $0x1;
	_ =	shalt  }
.Lfunc_end1:
_tile_overlayer_lowered:
.L_overlay_start_2:
0x49: {  	(tag) =	ssettag $0x2  }
0x4a: {  	s0 =	rddreg [dreg:$0x0];
	s2 =	stileid.u32  }
0x4b: {  	s1 =	rddreg [dreg:$0x1];
	p0 =	sne.s32 s2, $0x0  }
0x4c: {  	s3 =	rddreg [dreg:$0x2];
	[bflag:$0x3] =	sbarrier.arrive $0xFFFF;
	s2 =	simm.s32 @!p0 $0x1C01  }
0x4d: {  	[timem:s3], [sflag:s2] =	dma.local @!p0 [hbm:s0], s1  }
0x4e: {  	s0 =	simm.s32 @!p0 $0x1  }
0x4f: {  	_ =	swait.ge @!p0 [sflag:s0], s1  }
0x50: {  	s1 =	ssub.s32 @!p0 $0x0, s1;
	[sflag:s0] =	ssyncset.done @!p0 $0x0  }
0x51: {  	[sflag:s0] =	ssyncadd.s32 @!p0 s1  }
0x52: {  	[bflag:$0x3] =	sbarrier.arrive $0xFFFF  }
0x53: {  	_ =	shalt  }

</sc_bundles>
